<compile_context>
chip_gen: v7x
topology: tpu7x:2x2x1
jax: 0.10.2.dev20260603
libtpu: 0.0.44.dev20260713+nightly
codegen_flags: <defaults>
</compile_context>

<pallas_src>
import functools

import jax
import jax.numpy as jnp
from jax import lax
from jax.experimental import pallas as pl
from jax.experimental.pallas import tpu as pltpu
from jax.experimental.pallas import tpu_sc as plsc

NC = 2
NS = 16
CHUNK = 128
G = 256
BN = 512
H = 128
HALF = H // NC


def _round_up(v, m):
    return ((v + m - 1) // m) * m



def _sc_mesh():
    return plsc.VectorSubcoreMesh(core_axis_name="c", subcore_axis_name="s")


def _make_deg_kernel(n_pad, e_pad):
    rpt = n_pad // NS
    epw = e_pad // (NC * NS)
    nch = epw // CHUNK

    def body(dst_hbm, ones_hbm, out_hbm, acc_sh, ones_v, idx_v):
        c = lax.axis_index("c")
        s = lax.axis_index("s")
        rb = s * rpt
        pltpu.sync_copy(ones_hbm.at[pl.ds(rb, rpt)], acc_sh.at[pl.ds(rb, rpt)])
        pltpu.sync_copy(ones_hbm.at[pl.ds(0, CHUNK)], ones_v)
        plsc.subcore_barrier()
        eb = (c * NS + s) * epw

        def step(i, carry):
            off = eb + i * CHUNK
            pltpu.sync_copy(dst_hbm.at[pl.ds(off, CHUNK)], idx_v)
            pltpu.sync_copy(ones_v, acc_sh.at[idx_v], add=True)
            return carry

        lax.fori_loop(0, nch, step, 0)
        plsc.subcore_barrier()
        pltpu.sync_copy(acc_sh.at[pl.ds(rb, rpt)],
                        out_hbm.at[c, pl.ds(rb, rpt)])

    return pl.kernel(
        body,
        out_type=jax.ShapeDtypeStruct((NC, n_pad, 8), jnp.float32),
        mesh=_sc_mesh(),
        scratch_types=[
            pltpu.VMEM_SHARED((n_pad, 8), jnp.float32),
            pltpu.VMEM((CHUNK, 8), jnp.float32),
            pltpu.VMEM((CHUNK,), jnp.int32),
        ],
    )


def _make_agg_kernel(n_pad, e_pad):
    rpt = n_pad // NS
    epw = e_pad // NS
    nch = epw // CHUNK

    def body(src_hbm, dst_hbm, g_hbm, out_hbm, g_sh, acc_sh,
             si_a, di_a, si_b, di_b, r_a, r_b, sem_g, sem_s):
        c = lax.axis_index("c")
        s = lax.axis_index("s")
        rb = s * rpt
        pltpu.sync_copy(g_hbm.at[c, pl.ds(rb, rpt)], g_sh.at[pl.ds(rb, rpt)])
        pltpu.sync_copy(g_hbm.at[c, pl.ds(rb, rpt)], acc_sh.at[pl.ds(rb, rpt)])
        plsc.subcore_barrier()
        eb = s * epw

        def load_gather(off, si, di, r):
            pltpu.sync_copy(src_hbm.at[pl.ds(off, CHUNK)], si)
            pltpu.sync_copy(dst_hbm.at[pl.ds(off, CHUNK)], di)
            pltpu.async_copy(g_sh.at[si], r, sem_g).wait()

        load_gather(eb, si_a, di_a, r_a)

        def step(j, carry):
            off = eb + 2 * j * CHUNK
            d_a = pltpu.async_copy(r_a, acc_sh.at[di_a], sem_s, add=True)
            load_gather(off + CHUNK, si_b, di_b, r_b)
            d_a.wait()
            d_b = pltpu.async_copy(r_b, acc_sh.at[di_b], sem_s, add=True)
            load_gather(off + 2 * CHUNK, si_a, di_a, r_a)
            d_b.wait()
            return carry

        lax.fori_loop(0, nch // 2, step, 0)
        plsc.subcore_barrier()
        pltpu.sync_copy(acc_sh.at[pl.ds(rb, rpt)],
                        out_hbm.at[c, pl.ds(rb, rpt)])

    return pl.kernel(
        body,
        out_type=jax.ShapeDtypeStruct((NC, n_pad, HALF), jnp.float32),
        mesh=_sc_mesh(),
        scratch_types=[
            pltpu.VMEM_SHARED((n_pad, HALF), jnp.float32),
            pltpu.VMEM_SHARED((n_pad, HALF), jnp.float32),
            pltpu.VMEM((CHUNK,), jnp.int32),
            pltpu.VMEM((CHUNK,), jnp.int32),
            pltpu.VMEM((CHUNK,), jnp.int32),
            pltpu.VMEM((CHUNK,), jnp.int32),
            pltpu.VMEM((CHUNK, HALF), jnp.float32),
            pltpu.VMEM((CHUNK, HALF), jnp.float32),
            pltpu.SemaphoreType.DMA,
            pltpu.SemaphoreType.DMA,
        ],
    )



def _dinv_masked(deg_ref, i, nreal):
    deg = deg_ref[0][:, 0:1] + deg_ref[1][:, 0:1] - 1.0
    rows = i * BN + lax.broadcasted_iota(jnp.int32, (BN, 1), 0)
    return jnp.where(rows < nreal, lax.rsqrt(deg), 0.0)


def _split(o_ref, res):
    o_ref[0] = res[:, :HALF]
    o_ref[1] = res[:, HALF:]


def _t0_body(deg_ref, x_ref, w_ref, o_ref, *, nreal):
    dinv = _dinv_masked(deg_ref, pl.program_id(0), nreal)
    _split(o_ref, dinv * jnp.dot(x_ref[...], w_ref[...],
                                 preferred_element_type=jnp.float32))


def _tmid_body(deg_ref, a_ref, b_ref, w_ref, o_ref, *, nreal):
    dinv = _dinv_masked(deg_ref, pl.program_id(0), nreal)
    agg = jnp.concatenate([a_ref[0], a_ref[1]], axis=1)
    xb = jnp.tanh(dinv * agg + b_ref[...])
    _split(o_ref, dinv * jnp.dot(xb, w_ref[...],
                                 preferred_element_type=jnp.float32))


def _head_body(deg_ref, a_ref, b2_ref, w1_ref, b1_ref, w2_ref, b2f_ref,
               w3_ref, b3_ref, batch_ref, ia_ref, ib_ref,
               sums_ref, cnts_ref, xutil_ref, pairs_ref, *, nreal, nb, npairs):
    i = pl.program_id(0)
    dinv = _dinv_masked(deg_ref, i, nreal)
    agg = jnp.concatenate([a_ref[0], a_ref[1]], axis=1)
    xb = jnp.tanh(dinv * agg + b2_ref[...])
    h1 = jnp.tanh(jnp.dot(xb, w1_ref[...],
                          preferred_element_type=jnp.float32) + b1_ref[...])
    h2 = jnp.tanh(jnp.dot(h1, w2_ref[...],
                          preferred_element_type=jnp.float32) + b2f_ref[...])
    h3 = jnp.dot(h2, w3_ref[...],
                 preferred_element_type=jnp.float32) + b3_ref[...]

    rows = i * BN + lax.broadcasted_iota(jnp.int32, (BN, 1), 0)
    oh = ((batch_ref[...] == lax.broadcasted_iota(jnp.int32, (BN, G), 1))
          & (rows < nreal)).astype(jnp.float32)
    s_c = lax.dot_general(oh, h3, (((0,), (0,)), ((), ())),
                          preferred_element_type=jnp.float32)
    c_c = jnp.sum(oh, axis=0)[:, None]

    @pl.when(i == 0)
    def _init():
        sums_ref[...] = jnp.zeros_like(sums_ref)
        cnts_ref[...] = jnp.zeros_like(cnts_ref)

    sums_ref[...] += s_c
    cnts_ref[...] += c_c

    @pl.when(i == nb - 1)
    def _finish():
        util = sums_ref[...] / jnp.maximum(cnts_ref[...], 1.0)
        xutil_ref[...] = util
        gi = lax.broadcasted_iota(jnp.int32, (npairs, G), 1)
        oha = (ia_ref[...] == gi).astype(jnp.float32)
        ohb = (ib_ref[...] == gi).astype(jnp.float32)
        diff = jnp.dot(ohb - oha, util, preferred_element_type=jnp.float32)
        pairs_ref[...] = jax.nn.sigmoid(diff)



def kernel(x, edge_index, batch, idx_a, idx_b, params):
    n, d_in = x.shape
    e = edge_index.shape[1]
    p = idx_a.shape[0]
    n_pad = _round_up(n + 1, BN)
    e_pad = _round_up(e, NC * NS * CHUNK * 2)
    nb = n_pad // BN

    src = edge_index[0].astype(jnp.int32)
    dst = edge_index[1].astype(jnp.int32)
    pad_e = e_pad + CHUNK - e
    src_p = jnp.concatenate([src, jnp.full((pad_e,), n, jnp.int32)])
    dst_p = jnp.concatenate([dst, jnp.full((pad_e,), n, jnp.int32)])
    x_p = jnp.zeros((n_pad, d_in), jnp.float32).at[:n].set(x)
    batch_p = jnp.full((n_pad, 1), G, jnp.int32).at[:n, 0].set(
        batch.astype(jnp.int32))
    ones8 = jnp.ones((n_pad, 8), jnp.float32)
    ia = idx_a.astype(jnp.int32)[:, None]
    ib = idx_b.astype(jnp.int32)[:, None]

    (w0, b0) = params['conv_in']
    convs = params['convs']
    (wf1, bf1) = params['fc1']
    (wf2, bf2) = params['fc2']
    (wf3, bf3) = params['fc3']

    deg = _make_deg_kernel(n_pad, e_pad)(dst_p, ones8)
    agg_call = _make_agg_kernel(n_pad, e_pad)

    spec_deg = pl.BlockSpec((2, BN, 8), lambda i: (0, i, 0))
    spec_split = pl.BlockSpec((2, BN, HALF), lambda i: (0, i, 0))
    spec_row = pl.BlockSpec((BN, H), lambda i: (i, 0))
    spec_w = pl.BlockSpec((H, H), lambda i: (0, 0))
    spec_b = pl.BlockSpec((1, H), lambda i: (0, 0))
    split_out = jax.ShapeDtypeStruct((NC, n_pad, HALF), jnp.float32)

    g = pl.pallas_call(
        functools.partial(_t0_body, nreal=n),
        grid=(nb,),
        in_specs=[spec_deg, spec_row, spec_w],
        out_specs=spec_split,
        out_shape=split_out,
    )(deg, x_p, w0)

    biases = [b0] + [b for (_, b) in convs]
    for li, (w, _) in enumerate(convs):
        a = agg_call(src_p, dst_p, g)
        g = pl.pallas_call(
            functools.partial(_tmid_body, nreal=n),
            grid=(nb,),
            in_specs=[spec_deg, spec_split, spec_b, spec_w],
            out_specs=spec_split,
            out_shape=split_out,
        )(deg, a, biases[li][None, :], w)

    a = agg_call(src_p, dst_p, g)

    const = lambda shape: pl.BlockSpec(shape, lambda i: tuple(0 for _ in shape))
    sums, cnts, xutil, pairs = pl.pallas_call(
        functools.partial(_head_body, nreal=n, nb=nb, npairs=p),
        grid=(nb,),
        in_specs=[spec_deg, spec_split, spec_b,
                  spec_w, spec_b,
                  const((H, 32)), const((1, 32)),
                  const((32, 1)), const((1, 1)),
                  pl.BlockSpec((BN, 1), lambda i: (i, 0)),
                  const((p, 1)), const((p, 1))],
        out_specs=[const((G, 1)), const((G, 1)), const((G, 1)), const((p, 1))],
        out_shape=[jax.ShapeDtypeStruct((G, 1), jnp.float32),
                   jax.ShapeDtypeStruct((G, 1), jnp.float32),
                   jax.ShapeDtypeStruct((G, 1), jnp.float32),
                   jax.ShapeDtypeStruct((p, 1), jnp.float32)],
    )(deg, a, biases[-1][None, :], wf1, bf1[None, :], wf2, bf2[None, :],
      wf3, bf3[None, :], batch_p, ia, ib)

    return (pairs[:, 0], xutil)

# --- scband reference (transcript-rebuilt; emitter-appended) ---
"""Pipeline reference for scband-rank-gnn-26044681683633 (READ-ONLY COPY).

The authoritative reference and input builder live on the scoring server;
editing this copy changes nothing except your own understanding.
"""

import jax, jax.numpy as jnp
import numpy as np

N = 10000
E = 320000
D = 128
H = 128
G = 256
P = 4096


def _lin_init(key, fan_in, fan_out):
    k1, k2 = jax.random.split(key)
    s = 1.0 / np.sqrt(fan_in)
    W = jax.random.uniform(k1, (fan_in, fan_out), jnp.float32, -s, s)
    b = jax.random.uniform(k2, (fan_out,), jnp.float32, -s, s)
    return (W, b)


def setup_inputs(seed: int = 0) -> dict:
    key = jax.random.key(seed)
    ks = jax.random.split(key, 12)
    x = jax.random.normal(ks[0], (N, D), dtype=jnp.float32)
    edge_index = jax.random.randint(ks[1], (2, E), 0, N, dtype=jnp.int64)
    batch = jnp.sort(jax.random.randint(ks[2], (N,), 0, G, dtype=jnp.int64))
    idx_a = jax.random.randint(ks[3], (P,), 0, G, dtype=jnp.int64)
    idx_b = jax.random.randint(ks[4], (P,), 0, G, dtype=jnp.int64)
    params = {
        'conv_in': _lin_init(ks[5], D, H),
        'convs': [_lin_init(ks[6], H, H), _lin_init(ks[7], H, H)],
        'fc1': _lin_init(ks[8], H, H),
        'fc2': _lin_init(ks[9], H, 32),
        'fc3': _lin_init(ks[10], 32, 1),
    }
    return {'x': x, 'edge_index': edge_index, 'batch': batch,
            'idx_a': idx_a, 'idx_b': idx_b, 'params': params}


def _gcn_conv(x, src, dst, W, b):
    # PyG GCNConv: x' = D^{-1/2} (A + I) D^{-1/2} X W + b
    n = x.shape[0]
    h = x @ W
    loop = jnp.arange(n, dtype=src.dtype)
    s = jnp.concatenate([src, loop])
    d = jnp.concatenate([dst, loop])
    deg = jax.ops.segment_sum(jnp.ones(s.shape[0], jnp.float32), d, num_segments=n)
    dinv = jnp.where(deg > 0, 1.0 / jnp.sqrt(deg), 0.0)
    norm = dinv[s] * dinv[d]
    msg = h[s] * norm[:, None]
    out = jax.ops.segment_sum(msg, d, num_segments=n)
    return out + b


def reference(x, edge_index, batch, idx_a, idx_b, params):
    src, dst = edge_index[0], edge_index[1]
    W0, b0 = params['conv_in']
    h = jnp.tanh(_gcn_conv(x, src, dst, W0, b0))
    for (W, b) in params['convs']:
        h = jnp.tanh(_gcn_conv(h, src, dst, W, b))
        # dropout is identity in eval mode
    h = jnp.tanh(h @ params['fc1'][0] + params['fc1'][1])
    h = jnp.tanh(h @ params['fc2'][0] + params['fc2'][1])
    h = h @ params['fc3'][0] + params['fc3'][1]
    # global_mean_pool over graph ids
    sums = jax.ops.segment_sum(h, batch, num_segments=G)
    cnts = jax.ops.segment_sum(jnp.ones(h.shape[0], jnp.float32), batch, num_segments=G)
    x_util = sums / jnp.maximum(cnts, 1.0)[:, None]
    util = jnp.squeeze(x_util)
    pref_a = jnp.take(util, idx_a, axis=0)
    pref_b = jnp.take(util, idx_b, axis=0)
    out = jax.nn.sigmoid(pref_b - pref_a)
    return (out, x_util)

if __name__ == "__main__":
    import jax
    _d = setup_inputs()
    print(jax.jit(kernel)(*tuple(_d.values())))

</pallas_src>

<mosaic_0001>
#map = affine_map<(d0, d1) -> (0)>
#map1 = affine_map<(d0, d1) -> (0, 0, 0)>
module attributes {stable_mosaic.version = 14 : i64} {
  func.func @body(%arg0: i32, %arg1: i32, %arg2: memref<327808xi32, #tpu.memory_space<hbm>>, %arg3: memref<327808xi32, #tpu.memory_space<hbm>>, %arg4: memref<2x10240x64xf32, #tpu.memory_space<hbm>>, %arg5: memref<2x10240x64xf32, #tpu.memory_space<hbm>>, %arg6: memref<10240x64xf32, #tpu.memory_space<vmem_shared>>, %arg7: memref<10240x64xf32, #tpu.memory_space<vmem_shared>>, %arg8: memref<128xi32, #tpu.memory_space<vmem>>, %arg9: memref<128xi32, #tpu.memory_space<vmem>>, %arg10: memref<128xi32, #tpu.memory_space<vmem>>, %arg11: memref<128xi32, #tpu.memory_space<vmem>>, %arg12: memref<128x64xf32, #tpu.memory_space<vmem>>, %arg13: memref<128x64xf32, #tpu.memory_space<vmem>>, %arg14: memref<!tpu.dma_semaphore, #tpu.memory_space<semaphore_mem>>, %arg15: memref<!tpu.dma_semaphore, #tpu.memory_space<semaphore_mem>>) attributes {dimension_semantics = [#tpu.dimension_semantics<core_parallel>, #tpu.dimension_semantics<subcore_parallel>], iteration_bounds = array<i64: 2, 16>, scalar_prefetch = 0 : i64, scratch_operands = 10 : i64, tpu.core_type = #tpu.core_type<sc_vector_subcore>, window_params = [{transform_indices = #map}, {transform_indices = #map}, {transform_indices = #map1}, {transform_indices = #map1}]} {
    %mul3A = arith.constant 640 : i32
    %mul3A_0 = arith.muli %arg1, %mul3A : i32
    "tpu.region"() ({
      %run_scoped3A = tpu.sem_alloc : memref<!tpu.dma_semaphore, #tpu.memory_space<semaphore_mem>>
      %dma_start3A_13 = arith.constant 0 : i32
      %dma_start3A_14 = tpu.memref_slice %arg6[%mul3A_0, %dma_start3A_13] : memref<10240x64xf32, #tpu.memory_space<vmem_shared>> -> memref<640x64xf32, #tpu.memory_space<vmem_shared>>
      %dma_start3A_15 = arith.constant 0 : i32
      %dma_start3A_16 = tpu.memref_slice %arg4[%arg0, %mul3A_0, %dma_start3A_15] : memref<2x10240x64xf32, #tpu.memory_space<hbm>> -> memref<1x640x64xf32, #tpu.memory_space<hbm>>
      %dma_start3A_17 = tpu.memref_squeeze %dma_start3A_16 : memref<1x640x64xf32, #tpu.memory_space<hbm>> -> memref<640x64xf32, #tpu.memory_space<hbm>>
      tpu.enqueue_dma source(%dma_start3A_17 : memref<640x64xf32, #tpu.memory_space<hbm>>) target(%dma_start3A_14 : memref<640x64xf32, #tpu.memory_space<vmem_shared>>) target_semaphore(%run_scoped3A : memref<!tpu.dma_semaphore, #tpu.memory_space<semaphore_mem>>)
      %dma_wait3A_18 = arith.constant 0 : i32
      %dma_wait3A_19 = tpu.memref_slice %arg6[%mul3A_0, %dma_wait3A_18] : memref<10240x64xf32, #tpu.memory_space<vmem_shared>> -> memref<640x64xf32, #tpu.memory_space<vmem_shared>>
      %dma_wait3A_20 = arith.constant 0 : i32
      %dma_wait3A_21 = tpu.memref_slice %arg4[%arg0, %mul3A_0, %dma_wait3A_20] : memref<2x10240x64xf32, #tpu.memory_space<hbm>> -> memref<1x640x64xf32, #tpu.memory_space<hbm>>
      %dma_wait3A_22 = tpu.memref_squeeze %dma_wait3A_21 : memref<1x640x64xf32, #tpu.memory_space<hbm>> -> memref<640x64xf32, #tpu.memory_space<hbm>>
      tpu.wait_dma2 semaphore(%run_scoped3A : memref<!tpu.dma_semaphore, #tpu.memory_space<semaphore_mem>>) src(%dma_wait3A_22 : memref<640x64xf32, #tpu.memory_space<hbm>>) dst(%dma_wait3A_19 : memref<640x64xf32, #tpu.memory_space<vmem_shared>>)
      tpu.yield
    }) : () -> ()
    "tpu.region"() ({
      %run_scoped3A = tpu.sem_alloc : memref<!tpu.dma_semaphore, #tpu.memory_space<semaphore_mem>>
      %dma_start3A_13 = arith.constant 0 : i32
      %dma_start3A_14 = tpu.memref_slice %arg7[%mul3A_0, %dma_start3A_13] : memref<10240x64xf32, #tpu.memory_space<vmem_shared>> -> memref<640x64xf32, #tpu.memory_space<vmem_shared>>
      %dma_start3A_15 = arith.constant 0 : i32
      %dma_start3A_16 = tpu.memref_slice %arg4[%arg0, %mul3A_0, %dma_start3A_15] : memref<2x10240x64xf32, #tpu.memory_space<hbm>> -> memref<1x640x64xf32, #tpu.memory_space<hbm>>
      %dma_start3A_17 = tpu.memref_squeeze %dma_start3A_16 : memref<1x640x64xf32, #tpu.memory_space<hbm>> -> memref<640x64xf32, #tpu.memory_space<hbm>>
      tpu.enqueue_dma source(%dma_start3A_17 : memref<640x64xf32, #tpu.memory_space<hbm>>) target(%dma_start3A_14 : memref<640x64xf32, #tpu.memory_space<vmem_shared>>) target_semaphore(%run_scoped3A : memref<!tpu.dma_semaphore, #tpu.memory_space<semaphore_mem>>)
      %dma_wait3A_18 = arith.constant 0 : i32
      %dma_wait3A_19 = tpu.memref_slice %arg7[%mul3A_0, %dma_wait3A_18] : memref<10240x64xf32, #tpu.memory_space<vmem_shared>> -> memref<640x64xf32, #tpu.memory_space<vmem_shared>>
      %dma_wait3A_20 = arith.constant 0 : i32
      %dma_wait3A_21 = tpu.memref_slice %arg4[%arg0, %mul3A_0, %dma_wait3A_20] : memref<2x10240x64xf32, #tpu.memory_space<hbm>> -> memref<1x640x64xf32, #tpu.memory_space<hbm>>
      %dma_wait3A_22 = tpu.memref_squeeze %dma_wait3A_21 : memref<1x640x64xf32, #tpu.memory_space<hbm>> -> memref<640x64xf32, #tpu.memory_space<hbm>>
      tpu.wait_dma2 semaphore(%run_scoped3A : memref<!tpu.dma_semaphore, #tpu.memory_space<semaphore_mem>>) src(%dma_wait3A_22 : memref<640x64xf32, #tpu.memory_space<hbm>>) dst(%dma_wait3A_19 : memref<640x64xf32, #tpu.memory_space<vmem_shared>>)
      tpu.yield
    }) : () -> ()
    %barrier3A = arith.constant 0 : index
    tpu.barrier barrier_id(%barrier3A)
    %mul3A_1 = arith.constant 20480 : i32
    %mul3A_2 = arith.muli %arg1, %mul3A_1 : i32
    "tpu.region"() ({
      %run_scoped3A = tpu.sem_alloc : memref<!tpu.dma_semaphore, #tpu.memory_space<semaphore_mem>>
      %dma_start3A_13 = tpu.memref_slice %arg2[%mul3A_2] : memref<327808xi32, #tpu.memory_space<hbm>> -> memref<128xi32, #tpu.memory_space<hbm>>
      %dma_start3A_14 = tpu.memref_slice %arg2[%mul3A_2] : memref<327808xi32, #tpu.memory_space<hbm>> -> memref<128xi32, #tpu.memory_space<hbm>>
      tpu.enqueue_dma source(%dma_start3A_14 : memref<128xi32, #tpu.memory_space<hbm>>) target(%arg8 : memref<128xi32, #tpu.memory_space<vmem>>) target_semaphore(%run_scoped3A : memref<!tpu.dma_semaphore, #tpu.memory_space<semaphore_mem>>)
      %dma_wait3A_15 = tpu.memref_slice %arg2[%mul3A_2] : memref<327808xi32, #tpu.memory_space<hbm>> -> memref<128xi32, #tpu.memory_space<hbm>>
      %dma_wait3A_16 = tpu.memref_slice %arg2[%mul3A_2] : memref<327808xi32, #tpu.memory_space<hbm>> -> memref<128xi32, #tpu.memory_space<hbm>>
      tpu.wait_dma2 semaphore(%run_scoped3A : memref<!tpu.dma_semaphore, #tpu.memory_space<semaphore_mem>>) src(%dma_wait3A_16 : memref<128xi32, #tpu.memory_space<hbm>>) dst(%arg8 : memref<128xi32, #tpu.memory_space<vmem>>)
      tpu.yield
    }) : () -> ()
    "tpu.region"() ({
      %run_scoped3A = tpu.sem_alloc : memref<!tpu.dma_semaphore, #tpu.memory_space<semaphore_mem>>
      %dma_start3A_13 = tpu.memref_slice %arg3[%mul3A_2] : memref<327808xi32, #tpu.memory_space<hbm>> -> memref<128xi32, #tpu.memory_space<hbm>>
      %dma_start3A_14 = tpu.memref_slice %arg3[%mul3A_2] : memref<327808xi32, #tpu.memory_space<hbm>> -> memref<128xi32, #tpu.memory_space<hbm>>
      tpu.enqueue_dma source(%dma_start3A_14 : memref<128xi32, #tpu.memory_space<hbm>>) target(%arg9 : memref<128xi32, #tpu.memory_space<vmem>>) target_semaphore(%run_scoped3A : memref<!tpu.dma_semaphore, #tpu.memory_space<semaphore_mem>>)
      %dma_wait3A_15 = tpu.memref_slice %arg3[%mul3A_2] : memref<327808xi32, #tpu.memory_space<hbm>> -> memref<128xi32, #tpu.memory_space<hbm>>
      %dma_wait3A_16 = tpu.memref_slice %arg3[%mul3A_2] : memref<327808xi32, #tpu.memory_space<hbm>> -> memref<128xi32, #tpu.memory_space<hbm>>
      tpu.wait_dma2 semaphore(%run_scoped3A : memref<!tpu.dma_semaphore, #tpu.memory_space<semaphore_mem>>) src(%dma_wait3A_16 : memref<128xi32, #tpu.memory_space<hbm>>) dst(%arg9 : memref<128xi32, #tpu.memory_space<vmem>>)
      tpu.yield
    }) : () -> ()
    %dma_start3A = arith.constant 0 : i32
    %dma_start3A_3 = arith.constant 0 : i32
    %dma_start3A_4 = tpu.memref_slice %arg6[%dma_start3A, %dma_start3A_3] : memref<10240x64xf32, #tpu.memory_space<vmem_shared>> -> memref<10240x64xf32, #tpu.memory_space<vmem_shared>>
    tpu.enqueue_indirect_dma source(%dma_start3A_4 : memref<10240x64xf32, #tpu.memory_space<vmem_shared>>) target(%arg12 : memref<128x64xf32, #tpu.memory_space<vmem>>) offsets(%arg8 : memref<128xi32, #tpu.memory_space<vmem>>) semaphore(%arg14 : memref<!tpu.dma_semaphore, #tpu.memory_space<semaphore_mem>>)
    %dma_wait3A = arith.constant 0 : i32
    %dma_wait3A_5 = arith.constant 0 : i32
    %dma_wait3A_6 = tpu.memref_slice %arg6[%dma_wait3A, %dma_wait3A_5] : memref<10240x64xf32, #tpu.memory_space<vmem_shared>> -> memref<10240x64xf32, #tpu.memory_space<vmem_shared>>
    tpu.wait_indirect_dma semaphore(%arg14 : memref<!tpu.dma_semaphore, #tpu.memory_space<semaphore_mem>>) src(%dma_wait3A_6 : memref<10240x64xf32, #tpu.memory_space<vmem_shared>>) dst(%arg12 : memref<128x64xf32, #tpu.memory_space<vmem>>)
    %scan3A = arith.constant 0 : i32
    %scan3A_7 = arith.constant 0 : i32
    %scan3A_8 = arith.constant 80 : i32
    %scan3A_9 = arith.addi %scan3A_7, %scan3A_8 : i32
    %scan3A_10 = arith.constant 1 : i32
    scf.for %scan3A_13 = %scan3A_7 to %scan3A_9 step %scan3A_10  : i32 {
      %mul3A_14 = arith.constant 2 : i32
      %mul3A_15 = arith.muli %mul3A_14, %scan3A_13 : i32
      %mul3A_16 = arith.constant 128 : i32
      %mul3A_17 = arith.muli %mul3A_15, %mul3A_16 : i32
      %add3A = arith.addi %mul3A_2, %mul3A_17 : i32
      %dma_start3A_18 = arith.constant 0 : i32
      %dma_start3A_19 = arith.constant 0 : i32
      %dma_start3A_20 = tpu.memref_slice %arg7[%dma_start3A_18, %dma_start3A_19] : memref<10240x64xf32, #tpu.memory_space<vmem_shared>> -> memref<10240x64xf32, #tpu.memory_space<vmem_shared>>
      tpu.enqueue_indirect_dma source(%arg12 : memref<128x64xf32, #tpu.memory_space<vmem>>) target(%dma_start3A_20 : memref<10240x64xf32, #tpu.memory_space<vmem_shared>>) offsets(%arg9 : memref<128xi32, #tpu.memory_space<vmem>>) semaphore(%arg15 : memref<!tpu.dma_semaphore, #tpu.memory_space<semaphore_mem>>) {add = true}
      %add3A_21 = arith.constant 128 : i32
      %add3A_22 = arith.addi %add3A, %add3A_21 : i32
      "tpu.region"() ({
        %run_scoped3A = tpu.sem_alloc : memref<!tpu.dma_semaphore, #tpu.memory_space<semaphore_mem>>
        %dma_start3A_46 = tpu.memref_slice %arg2[%add3A_22] : memref<327808xi32, #tpu.memory_space<hbm>> -> memref<128xi32, #tpu.memory_space<hbm>>
        %dma_start3A_47 = tpu.memref_slice %arg2[%add3A_22] : memref<327808xi32, #tpu.memory_space<hbm>> -> memref<128xi32, #tpu.memory_space<hbm>>
        tpu.enqueue_dma source(%dma_start3A_47 : memref<128xi32, #tpu.memory_space<hbm>>) target(%arg10 : memref<128xi32, #tpu.memory_space<vmem>>) target_semaphore(%run_scoped3A : memref<!tpu.dma_semaphore, #tpu.memory_space<semaphore_mem>>)
        %dma_wait3A_48 = tpu.memref_slice %arg2[%add3A_22] : memref<327808xi32, #tpu.memory_space<hbm>> -> memref<128xi32, #tpu.memory_space<hbm>>
        %dma_wait3A_49 = tpu.memref_slice %arg2[%add3A_22] : memref<327808xi32, #tpu.memory_space<hbm>> -> memref<128xi32, #tpu.memory_space<hbm>>
        tpu.wait_dma2 semaphore(%run_scoped3A : memref<!tpu.dma_semaphore, #tpu.memory_space<semaphore_mem>>) src(%dma_wait3A_49 : memref<128xi32, #tpu.memory_space<hbm>>) dst(%arg10 : memref<128xi32, #tpu.memory_space<vmem>>)
        tpu.yield
      }) : () -> ()
      "tpu.region"() ({
        %run_scoped3A = tpu.sem_alloc : memref<!tpu.dma_semaphore, #tpu.memory_space<semaphore_mem>>
        %dma_start3A_46 = tpu.memref_slice %arg3[%add3A_22] : memref<327808xi32, #tpu.memory_space<hbm>> -> memref<128xi32, #tpu.memory_space<hbm>>
        %dma_start3A_47 = tpu.memref_slice %arg3[%add3A_22] : memref<327808xi32, #tpu.memory_space<hbm>> -> memref<128xi32, #tpu.memory_space<hbm>>
        tpu.enqueue_dma source(%dma_start3A_47 : memref<128xi32, #tpu.memory_space<hbm>>) target(%arg11 : memref<128xi32, #tpu.memory_space<vmem>>) target_semaphore(%run_scoped3A : memref<!tpu.dma_semaphore, #tpu.memory_space<semaphore_mem>>)
        %dma_wait3A_48 = tpu.memref_slice %arg3[%add3A_22] : memref<327808xi32, #tpu.memory_space<hbm>> -> memref<128xi32, #tpu.memory_space<hbm>>
        %dma_wait3A_49 = tpu.memref_slice %arg3[%add3A_22] : memref<327808xi32, #tpu.memory_space<hbm>> -> memref<128xi32, #tpu.memory_space<hbm>>
        tpu.wait_dma2 semaphore(%run_scoped3A : memref<!tpu.dma_semaphore, #tpu.memory_space<semaphore_mem>>) src(%dma_wait3A_49 : memref<128xi32, #tpu.memory_space<hbm>>) dst(%arg11 : memref<128xi32, #tpu.memory_space<vmem>>)
        tpu.yield
      }) : () -> ()
      %dma_start3A_23 = arith.constant 0 : i32
      %dma_start3A_24 = arith.constant 0 : i32
      %dma_start3A_25 = tpu.memref_slice %arg6[%dma_start3A_23, %dma_start3A_24] : memref<10240x64xf32, #tpu.memory_space<vmem_shared>> -> memref<10240x64xf32, #tpu.memory_space<vmem_shared>>
      tpu.enqueue_indirect_dma source(%dma_start3A_25 : memref<10240x64xf32, #tpu.memory_space<vmem_shared>>) target(%arg13 : memref<128x64xf32, #tpu.memory_space<vmem>>) offsets(%arg10 : memref<128xi32, #tpu.memory_space<vmem>>) semaphore(%arg14 : memref<!tpu.dma_semaphore, #tpu.memory_space<semaphore_mem>>)
      %dma_wait3A_26 = arith.constant 0 : i32
      %dma_wait3A_27 = arith.constant 0 : i32
      %dma_wait3A_28 = tpu.memref_slice %arg6[%dma_wait3A_26, %dma_wait3A_27] : memref<10240x64xf32, #tpu.memory_space<vmem_shared>> -> memref<10240x64xf32, #tpu.memory_space<vmem_shared>>
      tpu.wait_indirect_dma semaphore(%arg14 : memref<!tpu.dma_semaphore, #tpu.memory_space<semaphore_mem>>) src(%dma_wait3A_28 : memref<10240x64xf32, #tpu.memory_space<vmem_shared>>) dst(%arg13 : memref<128x64xf32, #tpu.memory_space<vmem>>)
      %dma_wait3A_29 = arith.constant 0 : i32
      %dma_wait3A_30 = arith.constant 0 : i32
      %dma_wait3A_31 = tpu.memref_slice %arg7[%dma_wait3A_29, %dma_wait3A_30] : memref<10240x64xf32, #tpu.memory_space<vmem_shared>> -> memref<10240x64xf32, #tpu.memory_space<vmem_shared>>
      tpu.wait_indirect_dma semaphore(%arg15 : memref<!tpu.dma_semaphore, #tpu.memory_space<semaphore_mem>>) src(%arg12 : memref<128x64xf32, #tpu.memory_space<vmem>>) dst(%dma_wait3A_31 : memref<10240x64xf32, #tpu.memory_space<vmem_shared>>)
      %dma_start3A_32 = arith.constant 0 : i32
      %dma_start3A_33 = arith.constant 0 : i32
      %dma_start3A_34 = tpu.memref_slice %arg7[%dma_start3A_32, %dma_start3A_33] : memref<10240x64xf32, #tpu.memory_space<vmem_shared>> -> memref<10240x64xf32, #tpu.memory_space<vmem_shared>>
      tpu.enqueue_indirect_dma source(%arg13 : memref<128x64xf32, #tpu.memory_space<vmem>>) target(%dma_start3A_34 : memref<10240x64xf32, #tpu.memory_space<vmem_shared>>) offsets(%arg11 : memref<128xi32, #tpu.memory_space<vmem>>) semaphore(%arg15 : memref<!tpu.dma_semaphore, #tpu.memory_space<semaphore_mem>>) {add = true}
      %add3A_35 = arith.constant 256 : i32
      %add3A_36 = arith.addi %add3A, %add3A_35 : i32
      "tpu.region"() ({
        %run_scoped3A = tpu.sem_alloc : memref<!tpu.dma_semaphore, #tpu.memory_space<semaphore_mem>>
        %dma_start3A_46 = tpu.memref_slice %arg2[%add3A_36] : memref<327808xi32, #tpu.memory_space<hbm>> -> memref<128xi32, #tpu.memory_space<hbm>>
        %dma_start3A_47 = tpu.memref_slice %arg2[%add3A_36] : memref<327808xi32, #tpu.memory_space<hbm>> -> memref<128xi32, #tpu.memory_space<hbm>>
        tpu.enqueue_dma source(%dma_start3A_47 : memref<128xi32, #tpu.memory_space<hbm>>) target(%arg8 : memref<128xi32, #tpu.memory_space<vmem>>) target_semaphore(%run_scoped3A : memref<!tpu.dma_semaphore, #tpu.memory_space<semaphore_mem>>)
        %dma_wait3A_48 = tpu.memref_slice %arg2[%add3A_36] : memref<327808xi32, #tpu.memory_space<hbm>> -> memref<128xi32, #tpu.memory_space<hbm>>
        %dma_wait3A_49 = tpu.memref_slice %arg2[%add3A_36] : memref<327808xi32, #tpu.memory_space<hbm>> -> memref<128xi32, #tpu.memory_space<hbm>>
        tpu.wait_dma2 semaphore(%run_scoped3A : memref<!tpu.dma_semaphore, #tpu.memory_space<semaphore_mem>>) src(%dma_wait3A_49 : memref<128xi32, #tpu.memory_space<hbm>>) dst(%arg8 : memref<128xi32, #tpu.memory_space<vmem>>)
        tpu.yield
      }) : () -> ()
      "tpu.region"() ({
        %run_scoped3A = tpu.sem_alloc : memref<!tpu.dma_semaphore, #tpu.memory_space<semaphore_mem>>
        %dma_start3A_46 = tpu.memref_slice %arg3[%add3A_36] : memref<327808xi32, #tpu.memory_space<hbm>> -> memref<128xi32, #tpu.memory_space<hbm>>
        %dma_start3A_47 = tpu.memref_slice %arg3[%add3A_36] : memref<327808xi32, #tpu.memory_space<hbm>> -> memref<128xi32, #tpu.memory_space<hbm>>
        tpu.enqueue_dma source(%dma_start3A_47 : memref<128xi32, #tpu.memory_space<hbm>>) target(%arg9 : memref<128xi32, #tpu.memory_space<vmem>>) target_semaphore(%run_scoped3A : memref<!tpu.dma_semaphore, #tpu.memory_space<semaphore_mem>>)
        %dma_wait3A_48 = tpu.memref_slice %arg3[%add3A_36] : memref<327808xi32, #tpu.memory_space<hbm>> -> memref<128xi32, #tpu.memory_space<hbm>>
        %dma_wait3A_49 = tpu.memref_slice %arg3[%add3A_36] : memref<327808xi32, #tpu.memory_space<hbm>> -> memref<128xi32, #tpu.memory_space<hbm>>
        tpu.wait_dma2 semaphore(%run_scoped3A : memref<!tpu.dma_semaphore, #tpu.memory_space<semaphore_mem>>) src(%dma_wait3A_49 : memref<128xi32, #tpu.memory_space<hbm>>) dst(%arg9 : memref<128xi32, #tpu.memory_space<vmem>>)
        tpu.yield
      }) : () -> ()
      %dma_start3A_37 = arith.constant 0 : i32
      %dma_start3A_38 = arith.constant 0 : i32
      %dma_start3A_39 = tpu.memref_slice %arg6[%dma_start3A_37, %dma_start3A_38] : memref<10240x64xf32, #tpu.memory_space<vmem_shared>> -> memref<10240x64xf32, #tpu.memory_space<vmem_shared>>
      tpu.enqueue_indirect_dma source(%dma_start3A_39 : memref<10240x64xf32, #tpu.memory_space<vmem_shared>>) target(%arg12 : memref<128x64xf32, #tpu.memory_space<vmem>>) offsets(%arg8 : memref<128xi32, #tpu.memory_space<vmem>>) semaphore(%arg14 : memref<!tpu.dma_semaphore, #tpu.memory_space<semaphore_mem>>)
      %dma_wait3A_40 = arith.constant 0 : i32
      %dma_wait3A_41 = arith.constant 0 : i32
      %dma_wait3A_42 = tpu.memref_slice %arg6[%dma_wait3A_40, %dma_wait3A_41] : memref<10240x64xf32, #tpu.memory_space<vmem_shared>> -> memref<10240x64xf32, #tpu.memory_space<vmem_shared>>
      tpu.wait_indirect_dma semaphore(%arg14 : memref<!tpu.dma_semaphore, #tpu.memory_space<semaphore_mem>>) src(%dma_wait3A_42 : memref<10240x64xf32, #tpu.memory_space<vmem_shared>>) dst(%arg12 : memref<128x64xf32, #tpu.memory_space<vmem>>)
      %dma_wait3A_43 = arith.constant 0 : i32
      %dma_wait3A_44 = arith.constant 0 : i32
      %dma_wait3A_45 = tpu.memref_slice %arg7[%dma_wait3A_43, %dma_wait3A_44] : memref<10240x64xf32, #tpu.memory_space<vmem_shared>> -> memref<10240x64xf32, #tpu.memory_space<vmem_shared>>
      tpu.wait_indirect_dma semaphore(%arg15 : memref<!tpu.dma_semaphore, #tpu.memory_space<semaphore_mem>>) src(%arg13 : memref<128x64xf32, #tpu.memory_space<vmem>>) dst(%dma_wait3A_45 : memref<10240x64xf32, #tpu.memory_space<vmem_shared>>)
    }
    %scan3A_11 = arith.constant 80 : i32
    %barrier3A_12 = arith.constant 0 : index
    tpu.barrier barrier_id(%barrier3A_12)
    "tpu.region"() ({
      %run_scoped3A = tpu.sem_alloc : memref<!tpu.dma_semaphore, #tpu.memory_space<semaphore_mem>>
      %dma_start3A_13 = arith.constant 0 : i32
      %dma_start3A_14 = tpu.memref_slice %arg5[%arg0, %mul3A_0, %dma_start3A_13] : memref<2x10240x64xf32, #tpu.memory_space<hbm>> -> memref<1x640x64xf32, #tpu.memory_space<hbm>>
      %dma_start3A_15 = tpu.memref_squeeze %dma_start3A_14 : memref<1x640x64xf32, #tpu.memory_space<hbm>> -> memref<640x64xf32, #tpu.memory_space<hbm>>
      %dma_start3A_16 = arith.constant 0 : i32
      %dma_start3A_17 = tpu.memref_slice %arg7[%mul3A_0, %dma_start3A_16] : memref<10240x64xf32, #tpu.memory_space<vmem_shared>> -> memref<640x64xf32, #tpu.memory_space<vmem_shared>>
      tpu.enqueue_dma source(%dma_start3A_17 : memref<640x64xf32, #tpu.memory_space<vmem_shared>>) target(%dma_start3A_15 : memref<640x64xf32, #tpu.memory_space<hbm>>) target_semaphore(%run_scoped3A : memref<!tpu.dma_semaphore, #tpu.memory_space<semaphore_mem>>)
      %dma_wait3A_18 = arith.constant 0 : i32
      %dma_wait3A_19 = tpu.memref_slice %arg5[%arg0, %mul3A_0, %dma_wait3A_18] : memref<2x10240x64xf32, #tpu.memory_space<hbm>> -> memref<1x640x64xf32, #tpu.memory_space<hbm>>
      %dma_wait3A_20 = tpu.memref_squeeze %dma_wait3A_19 : memref<1x640x64xf32, #tpu.memory_space<hbm>> -> memref<640x64xf32, #tpu.memory_space<hbm>>
      %dma_wait3A_21 = arith.constant 0 : i32
      %dma_wait3A_22 = tpu.memref_slice %arg7[%mul3A_0, %dma_wait3A_21] : memref<10240x64xf32, #tpu.memory_space<vmem_shared>> -> memref<640x64xf32, #tpu.memory_space<vmem_shared>>
      tpu.wait_dma2 semaphore(%run_scoped3A : memref<!tpu.dma_semaphore, #tpu.memory_space<semaphore_mem>>) src(%dma_wait3A_22 : memref<640x64xf32, #tpu.memory_space<vmem_shared>>) dst(%dma_wait3A_20 : memref<640x64xf32, #tpu.memory_space<hbm>>)
      tpu.yield
    }) : () -> ()
    return
  }
}

#map = affine_map<(d0, d1) -> (0)>
#map1 = affine_map<(d0, d1) -> (0, 0)>
#map2 = affine_map<(d0, d1) -> (0, 0, 0)>
module attributes {stable_mosaic.version = 14 : i64} {
  func.func @body(%arg0: i32, %arg1: i32, %arg2: memref<327808xi32, #tpu.memory_space<hbm>>, %arg3: memref<10240x8xf32, #tpu.memory_space<hbm>>, %arg4: memref<2x10240x8xf32, #tpu.memory_space<hbm>>, %arg5: memref<10240x8xf32, #tpu.memory_space<vmem_shared>>, %arg6: memref<128x8xf32, #tpu.memory_space<vmem>>, %arg7: memref<128xi32, #tpu.memory_space<vmem>>) attributes {dimension_semantics = [#tpu.dimension_semantics<core_parallel>, #tpu.dimension_semantics<subcore_parallel>], iteration_bounds = array<i64: 2, 16>, scalar_prefetch = 0 : i64, scratch_operands = 3 : i64, tpu.core_type = #tpu.core_type<sc_vector_subcore>, window_params = [{transform_indices = #map}, {transform_indices = #map1}, {transform_indices = #map2}]} {
    %mul3A = arith.constant 640 : i32
    %mul3A_0 = arith.muli %arg1, %mul3A : i32
    "tpu.region"() ({
      %run_scoped3A = tpu.sem_alloc : memref<!tpu.dma_semaphore, #tpu.memory_space<semaphore_mem>>
      %dma_start3A = arith.constant 0 : i32
      %dma_start3A_11 = tpu.memref_slice %arg5[%mul3A_0, %dma_start3A] : memref<10240x8xf32, #tpu.memory_space<vmem_shared>> -> memref<640x8xf32, #tpu.memory_space<vmem_shared>>
      %dma_start3A_12 = arith.constant 0 : i32
      %dma_start3A_13 = tpu.memref_slice %arg3[%mul3A_0, %dma_start3A_12] : memref<10240x8xf32, #tpu.memory_space<hbm>> -> memref<640x8xf32, #tpu.memory_space<hbm>>
      tpu.enqueue_dma source(%dma_start3A_13 : memref<640x8xf32, #tpu.memory_space<hbm>>) target(%dma_start3A_11 : memref<640x8xf32, #tpu.memory_space<vmem_shared>>) target_semaphore(%run_scoped3A : memref<!tpu.dma_semaphore, #tpu.memory_space<semaphore_mem>>)
      %dma_wait3A = arith.constant 0 : i32
      %dma_wait3A_14 = tpu.memref_slice %arg5[%mul3A_0, %dma_wait3A] : memref<10240x8xf32, #tpu.memory_space<vmem_shared>> -> memref<640x8xf32, #tpu.memory_space<vmem_shared>>
      %dma_wait3A_15 = arith.constant 0 : i32
      %dma_wait3A_16 = tpu.memref_slice %arg3[%mul3A_0, %dma_wait3A_15] : memref<10240x8xf32, #tpu.memory_space<hbm>> -> memref<640x8xf32, #tpu.memory_space<hbm>>
      tpu.wait_dma2 semaphore(%run_scoped3A : memref<!tpu.dma_semaphore, #tpu.memory_space<semaphore_mem>>) src(%dma_wait3A_16 : memref<640x8xf32, #tpu.memory_space<hbm>>) dst(%dma_wait3A_14 : memref<640x8xf32, #tpu.memory_space<vmem_shared>>)
      tpu.yield
    }) : () -> ()
    "tpu.region"() ({
      %run_scoped3A = tpu.sem_alloc : memref<!tpu.dma_semaphore, #tpu.memory_space<semaphore_mem>>
      %dma_start3A = arith.constant 0 : i32
      %dma_start3A_11 = arith.constant 0 : i32
      %dma_start3A_12 = tpu.memref_slice %arg3[%dma_start3A, %dma_start3A_11] : memref<10240x8xf32, #tpu.memory_space<hbm>> -> memref<128x8xf32, #tpu.memory_space<hbm>>
      %dma_start3A_13 = arith.constant 0 : i32
      %dma_start3A_14 = arith.constant 0 : i32
      %dma_start3A_15 = tpu.memref_slice %arg3[%dma_start3A_13, %dma_start3A_14] : memref<10240x8xf32, #tpu.memory_space<hbm>> -> memref<128x8xf32, #tpu.memory_space<hbm>>
      tpu.enqueue_dma source(%dma_start3A_15 : memref<128x8xf32, #tpu.memory_space<hbm>>) target(%arg6 : memref<128x8xf32, #tpu.memory_space<vmem>>) target_semaphore(%run_scoped3A : memref<!tpu.dma_semaphore, #tpu.memory_space<semaphore_mem>>)
      %dma_wait3A = arith.constant 0 : i32
      %dma_wait3A_16 = arith.constant 0 : i32
      %dma_wait3A_17 = tpu.memref_slice %arg3[%dma_wait3A, %dma_wait3A_16] : memref<10240x8xf32, #tpu.memory_space<hbm>> -> memref<128x8xf32, #tpu.memory_space<hbm>>
      %dma_wait3A_18 = arith.constant 0 : i32
      %dma_wait3A_19 = arith.constant 0 : i32
      %dma_wait3A_20 = tpu.memref_slice %arg3[%dma_wait3A_18, %dma_wait3A_19] : memref<10240x8xf32, #tpu.memory_space<hbm>> -> memref<128x8xf32, #tpu.memory_space<hbm>>
      tpu.wait_dma2 semaphore(%run_scoped3A : memref<!tpu.dma_semaphore, #tpu.memory_space<semaphore_mem>>) src(%dma_wait3A_20 : memref<128x8xf32, #tpu.memory_space<hbm>>) dst(%arg6 : memref<128x8xf32, #tpu.memory_space<vmem>>)
      tpu.yield
    }) : () -> ()
    %barrier3A = arith.constant 0 : index
    tpu.barrier barrier_id(%barrier3A)
    %mul3A_1 = arith.constant 16 : i32
    %mul3A_2 = arith.muli %arg0, %mul3A_1 : i32
    %add3A = arith.addi %mul3A_2, %arg1 : i32
    %mul3A_3 = arith.constant 10240 : i32
    %mul3A_4 = arith.muli %add3A, %mul3A_3 : i32
    %scan3A = arith.constant 0 : i32
    %scan3A_5 = arith.constant 0 : i32
    %scan3A_6 = arith.constant 80 : i32
    %scan3A_7 = arith.addi %scan3A_5, %scan3A_6 : i32
    %scan3A_8 = arith.constant 1 : i32
    scf.for %scan3A_11 = %scan3A_5 to %scan3A_7 step %scan3A_8  : i32 {
      %mul3A_12 = arith.constant 128 : i32
      %mul3A_13 = arith.muli %scan3A_11, %mul3A_12 : i32
      %add3A_14 = arith.addi %mul3A_4, %mul3A_13 : i32
      "tpu.region"() ({
        %run_scoped3A = tpu.sem_alloc : memref<!tpu.dma_semaphore, #tpu.memory_space<semaphore_mem>>
        %dma_start3A = tpu.memref_slice %arg2[%add3A_14] : memref<327808xi32, #tpu.memory_space<hbm>> -> memref<128xi32, #tpu.memory_space<hbm>>
        %dma_start3A_15 = tpu.memref_slice %arg2[%add3A_14] : memref<327808xi32, #tpu.memory_space<hbm>> -> memref<128xi32, #tpu.memory_space<hbm>>
        tpu.enqueue_dma source(%dma_start3A_15 : memref<128xi32, #tpu.memory_space<hbm>>) target(%arg7 : memref<128xi32, #tpu.memory_space<vmem>>) target_semaphore(%run_scoped3A : memref<!tpu.dma_semaphore, #tpu.memory_space<semaphore_mem>>)
        %dma_wait3A = tpu.memref_slice %arg2[%add3A_14] : memref<327808xi32, #tpu.memory_space<hbm>> -> memref<128xi32, #tpu.memory_space<hbm>>
        %dma_wait3A_16 = tpu.memref_slice %arg2[%add3A_14] : memref<327808xi32, #tpu.memory_space<hbm>> -> memref<128xi32, #tpu.memory_space<hbm>>
        tpu.wait_dma2 semaphore(%run_scoped3A : memref<!tpu.dma_semaphore, #tpu.memory_space<semaphore_mem>>) src(%dma_wait3A_16 : memref<128xi32, #tpu.memory_space<hbm>>) dst(%arg7 : memref<128xi32, #tpu.memory_space<vmem>>)
        tpu.yield
      }) : () -> ()
      "tpu.region"() ({
        %run_scoped3A = tpu.sem_alloc : memref<!tpu.dma_semaphore, #tpu.memory_space<semaphore_mem>>
        %dma_start3A = arith.constant 0 : i32
        %dma_start3A_15 = arith.constant 0 : i32
        %dma_start3A_16 = tpu.memref_slice %arg5[%dma_start3A, %dma_start3A_15] : memref<10240x8xf32, #tpu.memory_space<vmem_shared>> -> memref<10240x8xf32, #tpu.memory_space<vmem_shared>>
        tpu.enqueue_indirect_dma source(%arg6 : memref<128x8xf32, #tpu.memory_space<vmem>>) target(%dma_start3A_16 : memref<10240x8xf32, #tpu.memory_space<vmem_shared>>) offsets(%arg7 : memref<128xi32, #tpu.memory_space<vmem>>) semaphore(%run_scoped3A : memref<!tpu.dma_semaphore, #tpu.memory_space<semaphore_mem>>) {add = true}
        %dma_wait3A = arith.constant 0 : i32
        %dma_wait3A_17 = arith.constant 0 : i32
        %dma_wait3A_18 = tpu.memref_slice %arg5[%dma_wait3A, %dma_wait3A_17] : memref<10240x8xf32, #tpu.memory_space<vmem_shared>> -> memref<10240x8xf32, #tpu.memory_space<vmem_shared>>
        tpu.wait_indirect_dma semaphore(%run_scoped3A : memref<!tpu.dma_semaphore, #tpu.memory_space<semaphore_mem>>) src(%arg6 : memref<128x8xf32, #tpu.memory_space<vmem>>) dst(%dma_wait3A_18 : memref<10240x8xf32, #tpu.memory_space<vmem_shared>>)
        tpu.yield
      }) : () -> ()
    }
    %scan3A_9 = arith.constant 80 : i32
    %barrier3A_10 = arith.constant 0 : index
    tpu.barrier barrier_id(%barrier3A_10)
    "tpu.region"() ({
      %run_scoped3A = tpu.sem_alloc : memref<!tpu.dma_semaphore, #tpu.memory_space<semaphore_mem>>
      %dma_start3A = arith.constant 0 : i32
      %dma_start3A_11 = tpu.memref_slice %arg4[%arg0, %mul3A_0, %dma_start3A] : memref<2x10240x8xf32, #tpu.memory_space<hbm>> -> memref<1x640x8xf32, #tpu.memory_space<hbm>>
      %dma_start3A_12 = tpu.memref_squeeze %dma_start3A_11 : memref<1x640x8xf32, #tpu.memory_space<hbm>> -> memref<640x8xf32, #tpu.memory_space<hbm>>
      %dma_start3A_13 = arith.constant 0 : i32
      %dma_start3A_14 = tpu.memref_slice %arg5[%mul3A_0, %dma_start3A_13] : memref<10240x8xf32, #tpu.memory_space<vmem_shared>> -> memref<640x8xf32, #tpu.memory_space<vmem_shared>>
      tpu.enqueue_dma source(%dma_start3A_14 : memref<640x8xf32, #tpu.memory_space<vmem_shared>>) target(%dma_start3A_12 : memref<640x8xf32, #tpu.memory_space<hbm>>) target_semaphore(%run_scoped3A : memref<!tpu.dma_semaphore, #tpu.memory_space<semaphore_mem>>)
      %dma_wait3A = arith.constant 0 : i32
      %dma_wait3A_15 = tpu.memref_slice %arg4[%arg0, %mul3A_0, %dma_wait3A] : memref<2x10240x8xf32, #tpu.memory_space<hbm>> -> memref<1x640x8xf32, #tpu.memory_space<hbm>>
      %dma_wait3A_16 = tpu.memref_squeeze %dma_wait3A_15 : memref<1x640x8xf32, #tpu.memory_space<hbm>> -> memref<640x8xf32, #tpu.memory_space<hbm>>
      %dma_wait3A_17 = arith.constant 0 : i32
      %dma_wait3A_18 = tpu.memref_slice %arg5[%mul3A_0, %dma_wait3A_17] : memref<10240x8xf32, #tpu.memory_space<vmem_shared>> -> memref<640x8xf32, #tpu.memory_space<vmem_shared>>
      tpu.wait_dma2 semaphore(%run_scoped3A : memref<!tpu.dma_semaphore, #tpu.memory_space<semaphore_mem>>) src(%dma_wait3A_18 : memref<640x8xf32, #tpu.memory_space<vmem_shared>>) dst(%dma_wait3A_16 : memref<640x8xf32, #tpu.memory_space<hbm>>)
      tpu.yield
    }) : () -> ()
    return
  }
}

#map = affine_map<(d0, d1) -> (0)>
#map1 = affine_map<(d0, d1) -> (0, 0, 0)>
module attributes {stable_mosaic.version = 14 : i64} {
  func.func @body(%arg0: i32, %arg1: i32, %arg2: memref<327808xi32, #tpu.memory_space<hbm>>, %arg3: memref<327808xi32, #tpu.memory_space<hbm>>, %arg4: memref<2x10240x64xf32, #tpu.memory_space<hbm>>, %arg5: memref<2x10240x64xf32, #tpu.memory_space<hbm>>, %arg6: memref<10240x64xf32, #tpu.memory_space<vmem_shared>>, %arg7: memref<10240x64xf32, #tpu.memory_space<vmem_shared>>, %arg8: memref<128xi32, #tpu.memory_space<vmem>>, %arg9: memref<128xi32, #tpu.memory_space<vmem>>, %arg10: memref<128xi32, #tpu.memory_space<vmem>>, %arg11: memref<128xi32, #tpu.memory_space<vmem>>, %arg12: memref<128x64xf32, #tpu.memory_space<vmem>>, %arg13: memref<128x64xf32, #tpu.memory_space<vmem>>, %arg14: memref<!tpu.dma_semaphore, #tpu.memory_space<semaphore_mem>>, %arg15: memref<!tpu.dma_semaphore, #tpu.memory_space<semaphore_mem>>) attributes {dimension_semantics = [#tpu.dimension_semantics<core_parallel>, #tpu.dimension_semantics<subcore_parallel>], iteration_bounds = array<i64: 2, 16>, scalar_prefetch = 0 : i64, scratch_operands = 10 : i64, tpu.core_type = #tpu.core_type<sc_vector_subcore>, window_params = [{transform_indices = #map}, {transform_indices = #map}, {transform_indices = #map1}, {transform_indices = #map1}]} {
    %mul3A = arith.constant 640 : i32
    %mul3A_0 = arith.muli %arg1, %mul3A : i32
    "tpu.region"() ({
      %run_scoped3A = tpu.sem_alloc : memref<!tpu.dma_semaphore, #tpu.memory_space<semaphore_mem>>
      %dma_start3A_13 = arith.constant 0 : i32
      %dma_start3A_14 = tpu.memref_slice %arg6[%mul3A_0, %dma_start3A_13] : memref<10240x64xf32, #tpu.memory_space<vmem_shared>> -> memref<640x64xf32, #tpu.memory_space<vmem_shared>>
      %dma_start3A_15 = arith.constant 0 : i32
      %dma_start3A_16 = tpu.memref_slice %arg4[%arg0, %mul3A_0, %dma_start3A_15] : memref<2x10240x64xf32, #tpu.memory_space<hbm>> -> memref<1x640x64xf32, #tpu.memory_space<hbm>>
      %dma_start3A_17 = tpu.memref_squeeze %dma_start3A_16 : memref<1x640x64xf32, #tpu.memory_space<hbm>> -> memref<640x64xf32, #tpu.memory_space<hbm>>
      tpu.enqueue_dma source(%dma_start3A_17 : memref<640x64xf32, #tpu.memory_space<hbm>>) target(%dma_start3A_14 : memref<640x64xf32, #tpu.memory_space<vmem_shared>>) target_semaphore(%run_scoped3A : memref<!tpu.dma_semaphore, #tpu.memory_space<semaphore_mem>>)
      %dma_wait3A_18 = arith.constant 0 : i32
      %dma_wait3A_19 = tpu.memref_slice %arg6[%mul3A_0, %dma_wait3A_18] : memref<10240x64xf32, #tpu.memory_space<vmem_shared>> -> memref<640x64xf32, #tpu.memory_space<vmem_shared>>
      %dma_wait3A_20 = arith.constant 0 : i32
      %dma_wait3A_21 = tpu.memref_slice %arg4[%arg0, %mul3A_0, %dma_wait3A_20] : memref<2x10240x64xf32, #tpu.memory_space<hbm>> -> memref<1x640x64xf32, #tpu.memory_space<hbm>>
      %dma_wait3A_22 = tpu.memref_squeeze %dma_wait3A_21 : memref<1x640x64xf32, #tpu.memory_space<hbm>> -> memref<640x64xf32, #tpu.memory_space<hbm>>
      tpu.wait_dma2 semaphore(%run_scoped3A : memref<!tpu.dma_semaphore, #tpu.memory_space<semaphore_mem>>) src(%dma_wait3A_22 : memref<640x64xf32, #tpu.memory_space<hbm>>) dst(%dma_wait3A_19 : memref<640x64xf32, #tpu.memory_space<vmem_shared>>)
      tpu.yield
    }) : () -> ()
    "tpu.region"() ({
      %run_scoped3A = tpu.sem_alloc : memref<!tpu.dma_semaphore, #tpu.memory_space<semaphore_mem>>
      %dma_start3A_13 = arith.constant 0 : i32
      %dma_start3A_14 = tpu.memref_slice %arg7[%mul3A_0, %dma_start3A_13] : memref<10240x64xf32, #tpu.memory_space<vmem_shared>> -> memref<640x64xf32, #tpu.memory_space<vmem_shared>>
      %dma_start3A_15 = arith.constant 0 : i32
      %dma_start3A_16 = tpu.memref_slice %arg4[%arg0, %mul3A_0, %dma_start3A_15] : memref<2x10240x64xf32, #tpu.memory_space<hbm>> -> memref<1x640x64xf32, #tpu.memory_space<hbm>>
      %dma_start3A_17 = tpu.memref_squeeze %dma_start3A_16 : memref<1x640x64xf32, #tpu.memory_space<hbm>> -> memref<640x64xf32, #tpu.memory_space<hbm>>
      tpu.enqueue_dma source(%dma_start3A_17 : memref<640x64xf32, #tpu.memory_space<hbm>>) target(%dma_start3A_14 : memref<640x64xf32, #tpu.memory_space<vmem_shared>>) target_semaphore(%run_scoped3A : memref<!tpu.dma_semaphore, #tpu.memory_space<semaphore_mem>>)
      %dma_wait3A_18 = arith.constant 0 : i32
      %dma_wait3A_19 = tpu.memref_slice %arg7[%mul3A_0, %dma_wait3A_18] : memref<10240x64xf32, #tpu.memory_space<vmem_shared>> -> memref<640x64xf32, #tpu.memory_space<vmem_shared>>
      %dma_wait3A_20 = arith.constant 0 : i32
      %dma_wait3A_21 = tpu.memref_slice %arg4[%arg0, %mul3A_0, %dma_wait3A_20] : memref<2x10240x64xf32, #tpu.memory_space<hbm>> -> memref<1x640x64xf32, #tpu.memory_space<hbm>>
      %dma_wait3A_22 = tpu.memref_squeeze %dma_wait3A_21 : memref<1x640x64xf32, #tpu.memory_space<hbm>> -> memref<640x64xf32, #tpu.memory_space<hbm>>
      tpu.wait_dma2 semaphore(%run_scoped3A : memref<!tpu.dma_semaphore, #tpu.memory_space<semaphore_mem>>) src(%dma_wait3A_22 : memref<640x64xf32, #tpu.memory_space<hbm>>) dst(%dma_wait3A_19 : memref<640x64xf32, #tpu.memory_space<vmem_shared>>)
      tpu.yield
    }) : () -> ()
    %barrier3A = arith.constant 0 : index
    tpu.barrier barrier_id(%barrier3A)
    %mul3A_1 = arith.constant 20480 : i32
    %mul3A_2 = arith.muli %arg1, %mul3A_1 : i32
    "tpu.region"() ({
      %run_scoped3A = tpu.sem_alloc : memref<!tpu.dma_semaphore, #tpu.memory_space<semaphore_mem>>
      %dma_start3A_13 = tpu.memref_slice %arg2[%mul3A_2] : memref<327808xi32, #tpu.memory_space<hbm>> -> memref<128xi32, #tpu.memory_space<hbm>>
      %dma_start3A_14 = tpu.memref_slice %arg2[%mul3A_2] : memref<327808xi32, #tpu.memory_space<hbm>> -> memref<128xi32, #tpu.memory_space<hbm>>
      tpu.enqueue_dma source(%dma_start3A_14 : memref<128xi32, #tpu.memory_space<hbm>>) target(%arg8 : memref<128xi32, #tpu.memory_space<vmem>>) target_semaphore(%run_scoped3A : memref<!tpu.dma_semaphore, #tpu.memory_space<semaphore_mem>>)
      %dma_wait3A_15 = tpu.memref_slice %arg2[%mul3A_2] : memref<327808xi32, #tpu.memory_space<hbm>> -> memref<128xi32, #tpu.memory_space<hbm>>
      %dma_wait3A_16 = tpu.memref_slice %arg2[%mul3A_2] : memref<327808xi32, #tpu.memory_space<hbm>> -> memref<128xi32, #tpu.memory_space<hbm>>
      tpu.wait_dma2 semaphore(%run_scoped3A : memref<!tpu.dma_semaphore, #tpu.memory_space<semaphore_mem>>) src(%dma_wait3A_16 : memref<128xi32, #tpu.memory_space<hbm>>) dst(%arg8 : memref<128xi32, #tpu.memory_space<vmem>>)
      tpu.yield
    }) : () -> ()
    "tpu.region"() ({
      %run_scoped3A = tpu.sem_alloc : memref<!tpu.dma_semaphore, #tpu.memory_space<semaphore_mem>>
      %dma_start3A_13 = tpu.memref_slice %arg3[%mul3A_2] : memref<327808xi32, #tpu.memory_space<hbm>> -> memref<128xi32, #tpu.memory_space<hbm>>
      %dma_start3A_14 = tpu.memref_slice %arg3[%mul3A_2] : memref<327808xi32, #tpu.memory_space<hbm>> -> memref<128xi32, #tpu.memory_space<hbm>>
      tpu.enqueue_dma source(%dma_start3A_14 : memref<128xi32, #tpu.memory_space<hbm>>) target(%arg9 : memref<128xi32, #tpu.memory_space<vmem>>) target_semaphore(%run_scoped3A : memref<!tpu.dma_semaphore, #tpu.memory_space<semaphore_mem>>)
      %dma_wait3A_15 = tpu.memref_slice %arg3[%mul3A_2] : memref<327808xi32, #tpu.memory_space<hbm>> -> memref<128xi32, #tpu.memory_space<hbm>>
      %dma_wait3A_16 = tpu.memref_slice %arg3[%mul3A_2] : memref<327808xi32, #tpu.memory_space<hbm>> -> memref<128xi32, #tpu.memory_space<hbm>>
      tpu.wait_dma2 semaphore(%run_scoped3A : memref<!tpu.dma_semaphore, #tpu.memory_space<semaphore_mem>>) src(%dma_wait3A_16 : memref<128xi32, #tpu.memory_space<hbm>>) dst(%arg9 : memref<128xi32, #tpu.memory_space<vmem>>)
      tpu.yield
    }) : () -> ()
    %dma_start3A = arith.constant 0 : i32
    %dma_start3A_3 = arith.constant 0 : i32
    %dma_start3A_4 = tpu.memref_slice %arg6[%dma_start3A, %dma_start3A_3] : memref<10240x64xf32, #tpu.memory_space<vmem_shared>> -> memref<10240x64xf32, #tpu.memory_space<vmem_shared>>
    tpu.enqueue_indirect_dma source(%dma_start3A_4 : memref<10240x64xf32, #tpu.memory_space<vmem_shared>>) target(%arg12 : memref<128x64xf32, #tpu.memory_space<vmem>>) offsets(%arg8 : memref<128xi32, #tpu.memory_space<vmem>>) semaphore(%arg14 : memref<!tpu.dma_semaphore, #tpu.memory_space<semaphore_mem>>)
    %dma_wait3A = arith.constant 0 : i32
    %dma_wait3A_5 = arith.constant 0 : i32
    %dma_wait3A_6 = tpu.memref_slice %arg6[%dma_wait3A, %dma_wait3A_5] : memref<10240x64xf32, #tpu.memory_space<vmem_shared>> -> memref<10240x64xf32, #tpu.memory_space<vmem_shared>>
    tpu.wait_indirect_dma semaphore(%arg14 : memref<!tpu.dma_semaphore, #tpu.memory_space<semaphore_mem>>) src(%dma_wait3A_6 : memref<10240x64xf32, #tpu.memory_space<vmem_shared>>) dst(%arg12 : memref<128x64xf32, #tpu.memory_space<vmem>>)
    %scan3A = arith.constant 0 : i32
    %scan3A_7 = arith.constant 0 : i32
    %scan3A_8 = arith.constant 80 : i32
    %scan3A_9 = arith.addi %scan3A_7, %scan3A_8 : i32
    %scan3A_10 = arith.constant 1 : i32
    scf.for %scan3A_13 = %scan3A_7 to %scan3A_9 step %scan3A_10  : i32 {
      %mul3A_14 = arith.constant 2 : i32
      %mul3A_15 = arith.muli %mul3A_14, %scan3A_13 : i32
      %mul3A_16 = arith.constant 128 : i32
      %mul3A_17 = arith.muli %mul3A_15, %mul3A_16 : i32
      %add3A = arith.addi %mul3A_2, %mul3A_17 : i32
      %dma_start3A_18 = arith.constant 0 : i32
      %dma_start3A_19 = arith.constant 0 : i32
      %dma_start3A_20 = tpu.memref_slice %arg7[%dma_start3A_18, %dma_start3A_19] : memref<10240x64xf32, #tpu.memory_space<vmem_shared>> -> memref<10240x64xf32, #tpu.memory_space<vmem_shared>>
      tpu.enqueue_indirect_dma source(%arg12 : memref<128x64xf32, #tpu.memory_space<vmem>>) target(%dma_start3A_20 : memref<10240x64xf32, #tpu.memory_space<vmem_shared>>) offsets(%arg9 : memref<128xi32, #tpu.memory_space<vmem>>) semaphore(%arg15 : memref<!tpu.dma_semaphore, #tpu.memory_space<semaphore_mem>>) {add = true}
      %add3A_21 = arith.constant 128 : i32
      %add3A_22 = arith.addi %add3A, %add3A_21 : i32
      "tpu.region"() ({
        %run_scoped3A = tpu.sem_alloc : memref<!tpu.dma_semaphore, #tpu.memory_space<semaphore_mem>>
        %dma_start3A_46 = tpu.memref_slice %arg2[%add3A_22] : memref<327808xi32, #tpu.memory_space<hbm>> -> memref<128xi32, #tpu.memory_space<hbm>>
        %dma_start3A_47 = tpu.memref_slice %arg2[%add3A_22] : memref<327808xi32, #tpu.memory_space<hbm>> -> memref<128xi32, #tpu.memory_space<hbm>>
        tpu.enqueue_dma source(%dma_start3A_47 : memref<128xi32, #tpu.memory_space<hbm>>) target(%arg10 : memref<128xi32, #tpu.memory_space<vmem>>) target_semaphore(%run_scoped3A : memref<!tpu.dma_semaphore, #tpu.memory_space<semaphore_mem>>)
        %dma_wait3A_48 = tpu.memref_slice %arg2[%add3A_22] : memref<327808xi32, #tpu.memory_space<hbm>> -> memref<128xi32, #tpu.memory_space<hbm>>
        %dma_wait3A_49 = tpu.memref_slice %arg2[%add3A_22] : memref<327808xi32, #tpu.memory_space<hbm>> -> memref<128xi32, #tpu.memory_space<hbm>>
        tpu.wait_dma2 semaphore(%run_scoped3A : memref<!tpu.dma_semaphore, #tpu.memory_space<semaphore_mem>>) src(%dma_wait3A_49 : memref<128xi32, #tpu.memory_space<hbm>>) dst(%arg10 : memref<128xi32, #tpu.memory_space<vmem>>)
        tpu.yield
      }) : () -> ()
      "tpu.region"() ({
        %run_scoped3A = tpu.sem_alloc : memref<!tpu.dma_semaphore, #tpu.memory_space<semaphore_mem>>
        %dma_start3A_46 = tpu.memref_slice %arg3[%add3A_22] : memref<327808xi32, #tpu.memory_space<hbm>> -> memref<128xi32, #tpu.memory_space<hbm>>
        %dma_start3A_47 = tpu.memref_slice %arg3[%add3A_22] : memref<327808xi32, #tpu.memory_space<hbm>> -> memref<128xi32, #tpu.memory_space<hbm>>
        tpu.enqueue_dma source(%dma_start3A_47 : memref<128xi32, #tpu.memory_space<hbm>>) target(%arg11 : memref<128xi32, #tpu.memory_space<vmem>>) target_semaphore(%run_scoped3A : memref<!tpu.dma_semaphore, #tpu.memory_space<semaphore_mem>>)
        %dma_wait3A_48 = tpu.memref_slice %arg3[%add3A_22] : memref<327808xi32, #tpu.memory_space<hbm>> -> memref<128xi32, #tpu.memory_space<hbm>>
        %dma_wait3A_49 = tpu.memref_slice %arg3[%add3A_22] : memref<327808xi32, #tpu.memory_space<hbm>> -> memref<128xi32, #tpu.memory_space<hbm>>
        tpu.wait_dma2 semaphore(%run_scoped3A : memref<!tpu.dma_semaphore, #tpu.memory_space<semaphore_mem>>) src(%dma_wait3A_49 : memref<128xi32, #tpu.memory_space<hbm>>) dst(%arg11 : memref<128xi32, #tpu.memory_space<vmem>>)
        tpu.yield
      }) : () -> ()
      %dma_start3A_23 = arith.constant 0 : i32
      %dma_start3A_24 = arith.constant 0 : i32
      %dma_start3A_25 = tpu.memref_slice %arg6[%dma_start3A_23, %dma_start3A_24] : memref<10240x64xf32, #tpu.memory_space<vmem_shared>> -> memref<10240x64xf32, #tpu.memory_space<vmem_shared>>
      tpu.enqueue_indirect_dma source(%dma_start3A_25 : memref<10240x64xf32, #tpu.memory_space<vmem_shared>>) target(%arg13 : memref<128x64xf32, #tpu.memory_space<vmem>>) offsets(%arg10 : memref<128xi32, #tpu.memory_space<vmem>>) semaphore(%arg14 : memref<!tpu.dma_semaphore, #tpu.memory_space<semaphore_mem>>)
      %dma_wait3A_26 = arith.constant 0 : i32
      %dma_wait3A_27 = arith.constant 0 : i32
      %dma_wait3A_28 = tpu.memref_slice %arg6[%dma_wait3A_26, %dma_wait3A_27] : memref<10240x64xf32, #tpu.memory_space<vmem_shared>> -> memref<10240x64xf32, #tpu.memory_space<vmem_shared>>
      tpu.wait_indirect_dma semaphore(%arg14 : memref<!tpu.dma_semaphore, #tpu.memory_space<semaphore_mem>>) src(%dma_wait3A_28 : memref<10240x64xf32, #tpu.memory_space<vmem_shared>>) dst(%arg13 : memref<128x64xf32, #tpu.memory_space<vmem>>)
      %dma_wait3A_29 = arith.constant 0 : i32
      %dma_wait3A_30 = arith.constant 0 : i32
      %dma_wait3A_31 = tpu.memref_slice %arg7[%dma_wait3A_29, %dma_wait3A_30] : memref<10240x64xf32, #tpu.memory_space<vmem_shared>> -> memref<10240x64xf32, #tpu.memory_space<vmem_shared>>
      tpu.wait_indirect_dma semaphore(%arg15 : memref<!tpu.dma_semaphore, #tpu.memory_space<semaphore_mem>>) src(%arg12 : memref<128x64xf32, #tpu.memory_space<vmem>>) dst(%dma_wait3A_31 : memref<10240x64xf32, #tpu.memory_space<vmem_shared>>)
      %dma_start3A_32 = arith.constant 0 : i32
      %dma_start3A_33 = arith.constant 0 : i32
      %dma_start3A_34 = tpu.memref_slice %arg7[%dma_start3A_32, %dma_start3A_33] : memref<10240x64xf32, #tpu.memory_space<vmem_shared>> -> memref<10240x64xf32, #tpu.memory_space<vmem_shared>>
      tpu.enqueue_indirect_dma source(%arg13 : memref<128x64xf32, #tpu.memory_space<vmem>>) target(%dma_start3A_34 : memref<10240x64xf32, #tpu.memory_space<vmem_shared>>) offsets(%arg11 : memref<128xi32, #tpu.memory_space<vmem>>) semaphore(%arg15 : memref<!tpu.dma_semaphore, #tpu.memory_space<semaphore_mem>>) {add = true}
      %add3A_35 = arith.constant 256 : i32
      %add3A_36 = arith.addi %add3A, %add3A_35 : i32
      "tpu.region"() ({
        %run_scoped3A = tpu.sem_alloc : memref<!tpu.dma_semaphore, #tpu.memory_space<semaphore_mem>>
        %dma_start3A_46 = tpu.memref_slice %arg2[%add3A_36] : memref<327808xi32, #tpu.memory_space<hbm>> -> memref<128xi32, #tpu.memory_space<hbm>>
        %dma_start3A_47 = tpu.memref_slice %arg2[%add3A_36] : memref<327808xi32, #tpu.memory_space<hbm>> -> memref<128xi32, #tpu.memory_space<hbm>>
        tpu.enqueue_dma source(%dma_start3A_47 : memref<128xi32, #tpu.memory_space<hbm>>) target(%arg8 : memref<128xi32, #tpu.memory_space<vmem>>) target_semaphore(%run_scoped3A : memref<!tpu.dma_semaphore, #tpu.memory_space<semaphore_mem>>)
        %dma_wait3A_48 = tpu.memref_slice %arg2[%add3A_36] : memref<327808xi32, #tpu.memory_space<hbm>> -> memref<128xi32, #tpu.memory_space<hbm>>
        %dma_wait3A_49 = tpu.memref_slice %arg2[%add3A_36] : memref<327808xi32, #tpu.memory_space<hbm>> -> memref<128xi32, #tpu.memory_space<hbm>>
        tpu.wait_dma2 semaphore(%run_scoped3A : memref<!tpu.dma_semaphore, #tpu.memory_space<semaphore_mem>>) src(%dma_wait3A_49 : memref<128xi32, #tpu.memory_space<hbm>>) dst(%arg8 : memref<128xi32, #tpu.memory_space<vmem>>)
        tpu.yield
      }) : () -> ()
      "tpu.region"() ({
        %run_scoped3A = tpu.sem_alloc : memref<!tpu.dma_semaphore, #tpu.memory_space<semaphore_mem>>
        %dma_start3A_46 = tpu.memref_slice %arg3[%add3A_36] : memref<327808xi32, #tpu.memory_space<hbm>> -> memref<128xi32, #tpu.memory_space<hbm>>
        %dma_start3A_47 = tpu.memref_slice %arg3[%add3A_36] : memref<327808xi32, #tpu.memory_space<hbm>> -> memref<128xi32, #tpu.memory_space<hbm>>
        tpu.enqueue_dma source(%dma_start3A_47 : memref<128xi32, #tpu.memory_space<hbm>>) target(%arg9 : memref<128xi32, #tpu.memory_space<vmem>>) target_semaphore(%run_scoped3A : memref<!tpu.dma_semaphore, #tpu.memory_space<semaphore_mem>>)
        %dma_wait3A_48 = tpu.memref_slice %arg3[%add3A_36] : memref<327808xi32, #tpu.memory_space<hbm>> -> memref<128xi32, #tpu.memory_space<hbm>>
        %dma_wait3A_49 = tpu.memref_slice %arg3[%add3A_36] : memref<327808xi32, #tpu.memory_space<hbm>> -> memref<128xi32, #tpu.memory_space<hbm>>
        tpu.wait_dma2 semaphore(%run_scoped3A : memref<!tpu.dma_semaphore, #tpu.memory_space<semaphore_mem>>) src(%dma_wait3A_49 : memref<128xi32, #tpu.memory_space<hbm>>) dst(%arg9 : memref<128xi32, #tpu.memory_space<vmem>>)
        tpu.yield
      }) : () -> ()
      %dma_start3A_37 = arith.constant 0 : i32
      %dma_start3A_38 = arith.constant 0 : i32
      %dma_start3A_39 = tpu.memref_slice %arg6[%dma_start3A_37, %dma_start3A_38] : memref<10240x64xf32, #tpu.memory_space<vmem_shared>> -> memref<10240x64xf32, #tpu.memory_space<vmem_shared>>
      tpu.enqueue_indirect_dma source(%dma_start3A_39 : memref<10240x64xf32, #tpu.memory_space<vmem_shared>>) target(%arg12 : memref<128x64xf32, #tpu.memory_space<vmem>>) offsets(%arg8 : memref<128xi32, #tpu.memory_space<vmem>>) semaphore(%arg14 : memref<!tpu.dma_semaphore, #tpu.memory_space<semaphore_mem>>)
      %dma_wait3A_40 = arith.constant 0 : i32
      %dma_wait3A_41 = arith.constant 0 : i32
      %dma_wait3A_42 = tpu.memref_slice %arg6[%dma_wait3A_40, %dma_wait3A_41] : memref<10240x64xf32, #tpu.memory_space<vmem_shared>> -> memref<10240x64xf32, #tpu.memory_space<vmem_shared>>
      tpu.wait_indirect_dma semaphore(%arg14 : memref<!tpu.dma_semaphore, #tpu.memory_space<semaphore_mem>>) src(%dma_wait3A_42 : memref<10240x64xf32, #tpu.memory_space<vmem_shared>>) dst(%arg12 : memref<128x64xf32, #tpu.memory_space<vmem>>)
      %dma_wait3A_43 = arith.constant 0 : i32
      %dma_wait3A_44 = arith.constant 0 : i32
      %dma_wait3A_45 = tpu.memref_slice %arg7[%dma_wait3A_43, %dma_wait3A_44] : memref<10240x64xf32, #tpu.memory_space<vmem_shared>> -> memref<10240x64xf32, #tpu.memory_space<vmem_shared>>
      tpu.wait_indirect_dma semaphore(%arg15 : memref<!tpu.dma_semaphore, #tpu.memory_space<semaphore_mem>>) src(%arg13 : memref<128x64xf32, #tpu.memory_space<vmem>>) dst(%dma_wait3A_45 : memref<10240x64xf32, #tpu.memory_space<vmem_shared>>)
    }
    %scan3A_11 = arith.constant 80 : i32
    %barrier3A_12 = arith.constant 0 : index
    tpu.barrier barrier_id(%barrier3A_12)
    "tpu.region"() ({
      %run_scoped3A = tpu.sem_alloc : memref<!tpu.dma_semaphore, #tpu.memory_space<semaphore_mem>>
      %dma_start3A_13 = arith.constant 0 : i32
      %dma_start3A_14 = tpu.memref_slice %arg5[%arg0, %mul3A_0, %dma_start3A_13] : memref<2x10240x64xf32, #tpu.memory_space<hbm>> -> memref<1x640x64xf32, #tpu.memory_space<hbm>>
      %dma_start3A_15 = tpu.memref_squeeze %dma_start3A_14 : memref<1x640x64xf32, #tpu.memory_space<hbm>> -> memref<640x64xf32, #tpu.memory_space<hbm>>
      %dma_start3A_16 = arith.constant 0 : i32
      %dma_start3A_17 = tpu.memref_slice %arg7[%mul3A_0, %dma_start3A_16] : memref<10240x64xf32, #tpu.memory_space<vmem_shared>> -> memref<640x64xf32, #tpu.memory_space<vmem_shared>>
      tpu.enqueue_dma source(%dma_start3A_17 : memref<640x64xf32, #tpu.memory_space<vmem_shared>>) target(%dma_start3A_15 : memref<640x64xf32, #tpu.memory_space<hbm>>) target_semaphore(%run_scoped3A : memref<!tpu.dma_semaphore, #tpu.memory_space<semaphore_mem>>)
      %dma_wait3A_18 = arith.constant 0 : i32
      %dma_wait3A_19 = tpu.memref_slice %arg5[%arg0, %mul3A_0, %dma_wait3A_18] : memref<2x10240x64xf32, #tpu.memory_space<hbm>> -> memref<1x640x64xf32, #tpu.memory_space<hbm>>
      %dma_wait3A_20 = tpu.memref_squeeze %dma_wait3A_19 : memref<1x640x64xf32, #tpu.memory_space<hbm>> -> memref<640x64xf32, #tpu.memory_space<hbm>>
      %dma_wait3A_21 = arith.constant 0 : i32
      %dma_wait3A_22 = tpu.memref_slice %arg7[%mul3A_0, %dma_wait3A_21] : memref<10240x64xf32, #tpu.memory_space<vmem_shared>> -> memref<640x64xf32, #tpu.memory_space<vmem_shared>>
      tpu.wait_dma2 semaphore(%run_scoped3A : memref<!tpu.dma_semaphore, #tpu.memory_space<semaphore_mem>>) src(%dma_wait3A_22 : memref<640x64xf32, #tpu.memory_space<vmem_shared>>) dst(%dma_wait3A_20 : memref<640x64xf32, #tpu.memory_space<hbm>>)
      tpu.yield
    }) : () -> ()
    return
  }
}

#map = affine_map<(d0, d1) -> (0)>
#map1 = affine_map<(d0, d1) -> (0, 0, 0)>
module attributes {stable_mosaic.version = 14 : i64} {
  func.func @body(%arg0: i32, %arg1: i32, %arg2: memref<327808xi32, #tpu.memory_space<hbm>>, %arg3: memref<327808xi32, #tpu.memory_space<hbm>>, %arg4: memref<2x10240x64xf32, #tpu.memory_space<hbm>>, %arg5: memref<2x10240x64xf32, #tpu.memory_space<hbm>>, %arg6: memref<10240x64xf32, #tpu.memory_space<vmem_shared>>, %arg7: memref<10240x64xf32, #tpu.memory_space<vmem_shared>>, %arg8: memref<128xi32, #tpu.memory_space<vmem>>, %arg9: memref<128xi32, #tpu.memory_space<vmem>>, %arg10: memref<128xi32, #tpu.memory_space<vmem>>, %arg11: memref<128xi32, #tpu.memory_space<vmem>>, %arg12: memref<128x64xf32, #tpu.memory_space<vmem>>, %arg13: memref<128x64xf32, #tpu.memory_space<vmem>>, %arg14: memref<!tpu.dma_semaphore, #tpu.memory_space<semaphore_mem>>, %arg15: memref<!tpu.dma_semaphore, #tpu.memory_space<semaphore_mem>>) attributes {dimension_semantics = [#tpu.dimension_semantics<core_parallel>, #tpu.dimension_semantics<subcore_parallel>], iteration_bounds = array<i64: 2, 16>, scalar_prefetch = 0 : i64, scratch_operands = 10 : i64, tpu.core_type = #tpu.core_type<sc_vector_subcore>, window_params = [{transform_indices = #map}, {transform_indices = #map}, {transform_indices = #map1}, {transform_indices = #map1}]} {
    %mul3A = arith.constant 640 : i32
    %mul3A_0 = arith.muli %arg1, %mul3A : i32
    "tpu.region"() ({
      %run_scoped3A = tpu.sem_alloc : memref<!tpu.dma_semaphore, #tpu.memory_space<semaphore_mem>>
      %dma_start3A_13 = arith.constant 0 : i32
      %dma_start3A_14 = tpu.memref_slice %arg6[%mul3A_0, %dma_start3A_13] : memref<10240x64xf32, #tpu.memory_space<vmem_shared>> -> memref<640x64xf32, #tpu.memory_space<vmem_shared>>
      %dma_start3A_15 = arith.constant 0 : i32
      %dma_start3A_16 = tpu.memref_slice %arg4[%arg0, %mul3A_0, %dma_start3A_15] : memref<2x10240x64xf32, #tpu.memory_space<hbm>> -> memref<1x640x64xf32, #tpu.memory_space<hbm>>
      %dma_start3A_17 = tpu.memref_squeeze %dma_start3A_16 : memref<1x640x64xf32, #tpu.memory_space<hbm>> -> memref<640x64xf32, #tpu.memory_space<hbm>>
      tpu.enqueue_dma source(%dma_start3A_17 : memref<640x64xf32, #tpu.memory_space<hbm>>) target(%dma_start3A_14 : memref<640x64xf32, #tpu.memory_space<vmem_shared>>) target_semaphore(%run_scoped3A : memref<!tpu.dma_semaphore, #tpu.memory_space<semaphore_mem>>)
      %dma_wait3A_18 = arith.constant 0 : i32
      %dma_wait3A_19 = tpu.memref_slice %arg6[%mul3A_0, %dma_wait3A_18] : memref<10240x64xf32, #tpu.memory_space<vmem_shared>> -> memref<640x64xf32, #tpu.memory_space<vmem_shared>>
      %dma_wait3A_20 = arith.constant 0 : i32
      %dma_wait3A_21 = tpu.memref_slice %arg4[%arg0, %mul3A_0, %dma_wait3A_20] : memref<2x10240x64xf32, #tpu.memory_space<hbm>> -> memref<1x640x64xf32, #tpu.memory_space<hbm>>
      %dma_wait3A_22 = tpu.memref_squeeze %dma_wait3A_21 : memref<1x640x64xf32, #tpu.memory_space<hbm>> -> memref<640x64xf32, #tpu.memory_space<hbm>>
      tpu.wait_dma2 semaphore(%run_scoped3A : memref<!tpu.dma_semaphore, #tpu.memory_space<semaphore_mem>>) src(%dma_wait3A_22 : memref<640x64xf32, #tpu.memory_space<hbm>>) dst(%dma_wait3A_19 : memref<640x64xf32, #tpu.memory_space<vmem_shared>>)
      tpu.yield
    }) : () -> ()
    "tpu.region"() ({
      %run_scoped3A = tpu.sem_alloc : memref<!tpu.dma_semaphore, #tpu.memory_space<semaphore_mem>>
      %dma_start3A_13 = arith.constant 0 : i32
      %dma_start3A_14 = tpu.memref_slice %arg7[%mul3A_0, %dma_start3A_13] : memref<10240x64xf32, #tpu.memory_space<vmem_shared>> -> memref<640x64xf32, #tpu.memory_space<vmem_shared>>
      %dma_start3A_15 = arith.constant 0 : i32
      %dma_start3A_16 = tpu.memref_slice %arg4[%arg0, %mul3A_0, %dma_start3A_15] : memref<2x10240x64xf32, #tpu.memory_space<hbm>> -> memref<1x640x64xf32, #tpu.memory_space<hbm>>
      %dma_start3A_17 = tpu.memref_squeeze %dma_start3A_16 : memref<1x640x64xf32, #tpu.memory_space<hbm>> -> memref<640x64xf32, #tpu.memory_space<hbm>>
      tpu.enqueue_dma source(%dma_start3A_17 : memref<640x64xf32, #tpu.memory_space<hbm>>) target(%dma_start3A_14 : memref<640x64xf32, #tpu.memory_space<vmem_shared>>) target_semaphore(%run_scoped3A : memref<!tpu.dma_semaphore, #tpu.memory_space<semaphore_mem>>)
      %dma_wait3A_18 = arith.constant 0 : i32
      %dma_wait3A_19 = tpu.memref_slice %arg7[%mul3A_0, %dma_wait3A_18] : memref<10240x64xf32, #tpu.memory_space<vmem_shared>> -> memref<640x64xf32, #tpu.memory_space<vmem_shared>>
      %dma_wait3A_20 = arith.constant 0 : i32
      %dma_wait3A_21 = tpu.memref_slice %arg4[%arg0, %mul3A_0, %dma_wait3A_20] : memref<2x10240x64xf32, #tpu.memory_space<hbm>> -> memref<1x640x64xf32, #tpu.memory_space<hbm>>
      %dma_wait3A_22 = tpu.memref_squeeze %dma_wait3A_21 : memref<1x640x64xf32, #tpu.memory_space<hbm>> -> memref<640x64xf32, #tpu.memory_space<hbm>>
      tpu.wait_dma2 semaphore(%run_scoped3A : memref<!tpu.dma_semaphore, #tpu.memory_space<semaphore_mem>>) src(%dma_wait3A_22 : memref<640x64xf32, #tpu.memory_space<hbm>>) dst(%dma_wait3A_19 : memref<640x64xf32, #tpu.memory_space<vmem_shared>>)
      tpu.yield
    }) : () -> ()
    %barrier3A = arith.constant 0 : index
    tpu.barrier barrier_id(%barrier3A)
    %mul3A_1 = arith.constant 20480 : i32
    %mul3A_2 = arith.muli %arg1, %mul3A_1 : i32
    "tpu.region"() ({
      %run_scoped3A = tpu.sem_alloc : memref<!tpu.dma_semaphore, #tpu.memory_space<semaphore_mem>>
      %dma_start3A_13 = tpu.memref_slice %arg2[%mul3A_2] : memref<327808xi32, #tpu.memory_space<hbm>> -> memref<128xi32, #tpu.memory_space<hbm>>
      %dma_start3A_14 = tpu.memref_slice %arg2[%mul3A_2] : memref<327808xi32, #tpu.memory_space<hbm>> -> memref<128xi32, #tpu.memory_space<hbm>>
      tpu.enqueue_dma source(%dma_start3A_14 : memref<128xi32, #tpu.memory_space<hbm>>) target(%arg8 : memref<128xi32, #tpu.memory_space<vmem>>) target_semaphore(%run_scoped3A : memref<!tpu.dma_semaphore, #tpu.memory_space<semaphore_mem>>)
      %dma_wait3A_15 = tpu.memref_slice %arg2[%mul3A_2] : memref<327808xi32, #tpu.memory_space<hbm>> -> memref<128xi32, #tpu.memory_space<hbm>>
      %dma_wait3A_16 = tpu.memref_slice %arg2[%mul3A_2] : memref<327808xi32, #tpu.memory_space<hbm>> -> memref<128xi32, #tpu.memory_space<hbm>>
      tpu.wait_dma2 semaphore(%run_scoped3A : memref<!tpu.dma_semaphore, #tpu.memory_space<semaphore_mem>>) src(%dma_wait3A_16 : memref<128xi32, #tpu.memory_space<hbm>>) dst(%arg8 : memref<128xi32, #tpu.memory_space<vmem>>)
      tpu.yield
    }) : () -> ()
    "tpu.region"() ({
      %run_scoped3A = tpu.sem_alloc : memref<!tpu.dma_semaphore, #tpu.memory_space<semaphore_mem>>
      %dma_start3A_13 = tpu.memref_slice %arg3[%mul3A_2] : memref<327808xi32, #tpu.memory_space<hbm>> -> memref<128xi32, #tpu.memory_space<hbm>>
      %dma_start3A_14 = tpu.memref_slice %arg3[%mul3A_2] : memref<327808xi32, #tpu.memory_space<hbm>> -> memref<128xi32, #tpu.memory_space<hbm>>
      tpu.enqueue_dma source(%dma_start3A_14 : memref<128xi32, #tpu.memory_space<hbm>>) target(%arg9 : memref<128xi32, #tpu.memory_space<vmem>>) target_semaphore(%run_scoped3A : memref<!tpu.dma_semaphore, #tpu.memory_space<semaphore_mem>>)
      %dma_wait3A_15 = tpu.memref_slice %arg3[%mul3A_2] : memref<327808xi32, #tpu.memory_space<hbm>> -> memref<128xi32, #tpu.memory_space<hbm>>
      %dma_wait3A_16 = tpu.memref_slice %arg3[%mul3A_2] : memref<327808xi32, #tpu.memory_space<hbm>> -> memref<128xi32, #tpu.memory_space<hbm>>
      tpu.wait_dma2 semaphore(%run_scoped3A : memref<!tpu.dma_semaphore, #tpu.memory_space<semaphore_mem>>) src(%dma_wait3A_16 : memref<128xi32, #tpu.memory_space<hbm>>) dst(%arg9 : memref<128xi32, #tpu.memory_space<vmem>>)
      tpu.yield
    }) : () -> ()
    %dma_start3A = arith.constant 0 : i32
    %dma_start3A_3 = arith.constant 0 : i32
    %dma_start3A_4 = tpu.memref_slice %arg6[%dma_start3A, %dma_start3A_3] : memref<10240x64xf32, #tpu.memory_space<vmem_shared>> -> memref<10240x64xf32, #tpu.memory_space<vmem_shared>>
    tpu.enqueue_indirect_dma source(%dma_start3A_4 : memref<10240x64xf32, #tpu.memory_space<vmem_shared>>) target(%arg12 : memref<128x64xf32, #tpu.memory_space<vmem>>) offsets(%arg8 : memref<128xi32, #tpu.memory_space<vmem>>) semaphore(%arg14 : memref<!tpu.dma_semaphore, #tpu.memory_space<semaphore_mem>>)
    %dma_wait3A = arith.constant 0 : i32
    %dma_wait3A_5 = arith.constant 0 : i32
    %dma_wait3A_6 = tpu.memref_slice %arg6[%dma_wait3A, %dma_wait3A_5] : memref<10240x64xf32, #tpu.memory_space<vmem_shared>> -> memref<10240x64xf32, #tpu.memory_space<vmem_shared>>
    tpu.wait_indirect_dma semaphore(%arg14 : memref<!tpu.dma_semaphore, #tpu.memory_space<semaphore_mem>>) src(%dma_wait3A_6 : memref<10240x64xf32, #tpu.memory_space<vmem_shared>>) dst(%arg12 : memref<128x64xf32, #tpu.memory_space<vmem>>)
    %scan3A = arith.constant 0 : i32
    %scan3A_7 = arith.constant 0 : i32
    %scan3A_8 = arith.constant 80 : i32
    %scan3A_9 = arith.addi %scan3A_7, %scan3A_8 : i32
    %scan3A_10 = arith.constant 1 : i32
    scf.for %scan3A_13 = %scan3A_7 to %scan3A_9 step %scan3A_10  : i32 {
      %mul3A_14 = arith.constant 2 : i32
      %mul3A_15 = arith.muli %mul3A_14, %scan3A_13 : i32
      %mul3A_16 = arith.constant 128 : i32
      %mul3A_17 = arith.muli %mul3A_15, %mul3A_16 : i32
      %add3A = arith.addi %mul3A_2, %mul3A_17 : i32
      %dma_start3A_18 = arith.constant 0 : i32
      %dma_start3A_19 = arith.constant 0 : i32
      %dma_start3A_20 = tpu.memref_slice %arg7[%dma_start3A_18, %dma_start3A_19] : memref<10240x64xf32, #tpu.memory_space<vmem_shared>> -> memref<10240x64xf32, #tpu.memory_space<vmem_shared>>
      tpu.enqueue_indirect_dma source(%arg12 : memref<128x64xf32, #tpu.memory_space<vmem>>) target(%dma_start3A_20 : memref<10240x64xf32, #tpu.memory_space<vmem_shared>>) offsets(%arg9 : memref<128xi32, #tpu.memory_space<vmem>>) semaphore(%arg15 : memref<!tpu.dma_semaphore, #tpu.memory_space<semaphore_mem>>) {add = true}
      %add3A_21 = arith.constant 128 : i32
      %add3A_22 = arith.addi %add3A, %add3A_21 : i32
      "tpu.region"() ({
        %run_scoped3A = tpu.sem_alloc : memref<!tpu.dma_semaphore, #tpu.memory_space<semaphore_mem>>
        %dma_start3A_46 = tpu.memref_slice %arg2[%add3A_22] : memref<327808xi32, #tpu.memory_space<hbm>> -> memref<128xi32, #tpu.memory_space<hbm>>
        %dma_start3A_47 = tpu.memref_slice %arg2[%add3A_22] : memref<327808xi32, #tpu.memory_space<hbm>> -> memref<128xi32, #tpu.memory_space<hbm>>
        tpu.enqueue_dma source(%dma_start3A_47 : memref<128xi32, #tpu.memory_space<hbm>>) target(%arg10 : memref<128xi32, #tpu.memory_space<vmem>>) target_semaphore(%run_scoped3A : memref<!tpu.dma_semaphore, #tpu.memory_space<semaphore_mem>>)
        %dma_wait3A_48 = tpu.memref_slice %arg2[%add3A_22] : memref<327808xi32, #tpu.memory_space<hbm>> -> memref<128xi32, #tpu.memory_space<hbm>>
        %dma_wait3A_49 = tpu.memref_slice %arg2[%add3A_22] : memref<327808xi32, #tpu.memory_space<hbm>> -> memref<128xi32, #tpu.memory_space<hbm>>
        tpu.wait_dma2 semaphore(%run_scoped3A : memref<!tpu.dma_semaphore, #tpu.memory_space<semaphore_mem>>) src(%dma_wait3A_49 : memref<128xi32, #tpu.memory_space<hbm>>) dst(%arg10 : memref<128xi32, #tpu.memory_space<vmem>>)
        tpu.yield
      }) : () -> ()
      "tpu.region"() ({
        %run_scoped3A = tpu.sem_alloc : memref<!tpu.dma_semaphore, #tpu.memory_space<semaphore_mem>>
        %dma_start3A_46 = tpu.memref_slice %arg3[%add3A_22] : memref<327808xi32, #tpu.memory_space<hbm>> -> memref<128xi32, #tpu.memory_space<hbm>>
        %dma_start3A_47 = tpu.memref_slice %arg3[%add3A_22] : memref<327808xi32, #tpu.memory_space<hbm>> -> memref<128xi32, #tpu.memory_space<hbm>>
        tpu.enqueue_dma source(%dma_start3A_47 : memref<128xi32, #tpu.memory_space<hbm>>) target(%arg11 : memref<128xi32, #tpu.memory_space<vmem>>) target_semaphore(%run_scoped3A : memref<!tpu.dma_semaphore, #tpu.memory_space<semaphore_mem>>)
        %dma_wait3A_48 = tpu.memref_slice %arg3[%add3A_22] : memref<327808xi32, #tpu.memory_space<hbm>> -> memref<128xi32, #tpu.memory_space<hbm>>
        %dma_wait3A_49 = tpu.memref_slice %arg3[%add3A_22] : memref<327808xi32, #tpu.memory_space<hbm>> -> memref<128xi32, #tpu.memory_space<hbm>>
        tpu.wait_dma2 semaphore(%run_scoped3A : memref<!tpu.dma_semaphore, #tpu.memory_space<semaphore_mem>>) src(%dma_wait3A_49 : memref<128xi32, #tpu.memory_space<hbm>>) dst(%arg11 : memref<128xi32, #tpu.memory_space<vmem>>)
        tpu.yield
      }) : () -> ()
      %dma_start3A_23 = arith.constant 0 : i32
      %dma_start3A_24 = arith.constant 0 : i32
      %dma_start3A_25 = tpu.memref_slice %arg6[%dma_start3A_23, %dma_start3A_24] : memref<10240x64xf32, #tpu.memory_space<vmem_shared>> -> memref<10240x64xf32, #tpu.memory_space<vmem_shared>>
      tpu.enqueue_indirect_dma source(%dma_start3A_25 : memref<10240x64xf32, #tpu.memory_space<vmem_shared>>) target(%arg13 : memref<128x64xf32, #tpu.memory_space<vmem>>) offsets(%arg10 : memref<128xi32, #tpu.memory_space<vmem>>) semaphore(%arg14 : memref<!tpu.dma_semaphore, #tpu.memory_space<semaphore_mem>>)
      %dma_wait3A_26 = arith.constant 0 : i32
      %dma_wait3A_27 = arith.constant 0 : i32
      %dma_wait3A_28 = tpu.memref_slice %arg6[%dma_wait3A_26, %dma_wait3A_27] : memref<10240x64xf32, #tpu.memory_space<vmem_shared>> -> memref<10240x64xf32, #tpu.memory_space<vmem_shared>>
      tpu.wait_indirect_dma semaphore(%arg14 : memref<!tpu.dma_semaphore, #tpu.memory_space<semaphore_mem>>) src(%dma_wait3A_28 : memref<10240x64xf32, #tpu.memory_space<vmem_shared>>) dst(%arg13 : memref<128x64xf32, #tpu.memory_space<vmem>>)
      %dma_wait3A_29 = arith.constant 0 : i32
      %dma_wait3A_30 = arith.constant 0 : i32
      %dma_wait3A_31 = tpu.memref_slice %arg7[%dma_wait3A_29, %dma_wait3A_30] : memref<10240x64xf32, #tpu.memory_space<vmem_shared>> -> memref<10240x64xf32, #tpu.memory_space<vmem_shared>>
      tpu.wait_indirect_dma semaphore(%arg15 : memref<!tpu.dma_semaphore, #tpu.memory_space<semaphore_mem>>) src(%arg12 : memref<128x64xf32, #tpu.memory_space<vmem>>) dst(%dma_wait3A_31 : memref<10240x64xf32, #tpu.memory_space<vmem_shared>>)
      %dma_start3A_32 = arith.constant 0 : i32
      %dma_start3A_33 = arith.constant 0 : i32
      %dma_start3A_34 = tpu.memref_slice %arg7[%dma_start3A_32, %dma_start3A_33] : memref<10240x64xf32, #tpu.memory_space<vmem_shared>> -> memref<10240x64xf32, #tpu.memory_space<vmem_shared>>
      tpu.enqueue_indirect_dma source(%arg13 : memref<128x64xf32, #tpu.memory_space<vmem>>) target(%dma_start3A_34 : memref<10240x64xf32, #tpu.memory_space<vmem_shared>>) offsets(%arg11 : memref<128xi32, #tpu.memory_space<vmem>>) semaphore(%arg15 : memref<!tpu.dma_semaphore, #tpu.memory_space<semaphore_mem>>) {add = true}
      %add3A_35 = arith.constant 256 : i32
      %add3A_36 = arith.addi %add3A, %add3A_35 : i32
      "tpu.region"() ({
        %run_scoped3A = tpu.sem_alloc : memref<!tpu.dma_semaphore, #tpu.memory_space<semaphore_mem>>
        %dma_start3A_46 = tpu.memref_slice %arg2[%add3A_36] : memref<327808xi32, #tpu.memory_space<hbm>> -> memref<128xi32, #tpu.memory_space<hbm>>
        %dma_start3A_47 = tpu.memref_slice %arg2[%add3A_36] : memref<327808xi32, #tpu.memory_space<hbm>> -> memref<128xi32, #tpu.memory_space<hbm>>
        tpu.enqueue_dma source(%dma_start3A_47 : memref<128xi32, #tpu.memory_space<hbm>>) target(%arg8 : memref<128xi32, #tpu.memory_space<vmem>>) target_semaphore(%run_scoped3A : memref<!tpu.dma_semaphore, #tpu.memory_space<semaphore_mem>>)
        %dma_wait3A_48 = tpu.memref_slice %arg2[%add3A_36] : memref<327808xi32, #tpu.memory_space<hbm>> -> memref<128xi32, #tpu.memory_space<hbm>>
        %dma_wait3A_49 = tpu.memref_slice %arg2[%add3A_36] : memref<327808xi32, #tpu.memory_space<hbm>> -> memref<128xi32, #tpu.memory_space<hbm>>
        tpu.wait_dma2 semaphore(%run_scoped3A : memref<!tpu.dma_semaphore, #tpu.memory_space<semaphore_mem>>) src(%dma_wait3A_49 : memref<128xi32, #tpu.memory_space<hbm>>) dst(%arg8 : memref<128xi32, #tpu.memory_space<vmem>>)
        tpu.yield
      }) : () -> ()
      "tpu.region"() ({
        %run_scoped3A = tpu.sem_alloc : memref<!tpu.dma_semaphore, #tpu.memory_space<semaphore_mem>>
        %dma_start3A_46 = tpu.memref_slice %arg3[%add3A_36] : memref<327808xi32, #tpu.memory_space<hbm>> -> memref<128xi32, #tpu.memory_space<hbm>>
        %dma_start3A_47 = tpu.memref_slice %arg3[%add3A_36] : memref<327808xi32, #tpu.memory_space<hbm>> -> memref<128xi32, #tpu.memory_space<hbm>>
        tpu.enqueue_dma source(%dma_start3A_47 : memref<128xi32, #tpu.memory_space<hbm>>) target(%arg9 : memref<128xi32, #tpu.memory_space<vmem>>) target_semaphore(%run_scoped3A : memref<!tpu.dma_semaphore, #tpu.memory_space<semaphore_mem>>)
        %dma_wait3A_48 = tpu.memref_slice %arg3[%add3A_36] : memref<327808xi32, #tpu.memory_space<hbm>> -> memref<128xi32, #tpu.memory_space<hbm>>
        %dma_wait3A_49 = tpu.memref_slice %arg3[%add3A_36] : memref<327808xi32, #tpu.memory_space<hbm>> -> memref<128xi32, #tpu.memory_space<hbm>>
        tpu.wait_dma2 semaphore(%run_scoped3A : memref<!tpu.dma_semaphore, #tpu.memory_space<semaphore_mem>>) src(%dma_wait3A_49 : memref<128xi32, #tpu.memory_space<hbm>>) dst(%arg9 : memref<128xi32, #tpu.memory_space<vmem>>)
        tpu.yield
      }) : () -> ()
      %dma_start3A_37 = arith.constant 0 : i32
      %dma_start3A_38 = arith.constant 0 : i32
      %dma_start3A_39 = tpu.memref_slice %arg6[%dma_start3A_37, %dma_start3A_38] : memref<10240x64xf32, #tpu.memory_space<vmem_shared>> -> memref<10240x64xf32, #tpu.memory_space<vmem_shared>>
      tpu.enqueue_indirect_dma source(%dma_start3A_39 : memref<10240x64xf32, #tpu.memory_space<vmem_shared>>) target(%arg12 : memref<128x64xf32, #tpu.memory_space<vmem>>) offsets(%arg8 : memref<128xi32, #tpu.memory_space<vmem>>) semaphore(%arg14 : memref<!tpu.dma_semaphore, #tpu.memory_space<semaphore_mem>>)
      %dma_wait3A_40 = arith.constant 0 : i32
      %dma_wait3A_41 = arith.constant 0 : i32
      %dma_wait3A_42 = tpu.memref_slice %arg6[%dma_wait3A_40, %dma_wait3A_41] : memref<10240x64xf32, #tpu.memory_space<vmem_shared>> -> memref<10240x64xf32, #tpu.memory_space<vmem_shared>>
      tpu.wait_indirect_dma semaphore(%arg14 : memref<!tpu.dma_semaphore, #tpu.memory_space<semaphore_mem>>) src(%dma_wait3A_42 : memref<10240x64xf32, #tpu.memory_space<vmem_shared>>) dst(%arg12 : memref<128x64xf32, #tpu.memory_space<vmem>>)
      %dma_wait3A_43 = arith.constant 0 : i32
      %dma_wait3A_44 = arith.constant 0 : i32
      %dma_wait3A_45 = tpu.memref_slice %arg7[%dma_wait3A_43, %dma_wait3A_44] : memref<10240x64xf32, #tpu.memory_space<vmem_shared>> -> memref<10240x64xf32, #tpu.memory_space<vmem_shared>>
      tpu.wait_indirect_dma semaphore(%arg15 : memref<!tpu.dma_semaphore, #tpu.memory_space<semaphore_mem>>) src(%arg13 : memref<128x64xf32, #tpu.memory_space<vmem>>) dst(%dma_wait3A_45 : memref<10240x64xf32, #tpu.memory_space<vmem_shared>>)
    }
    %scan3A_11 = arith.constant 80 : i32
    %barrier3A_12 = arith.constant 0 : index
    tpu.barrier barrier_id(%barrier3A_12)
    "tpu.region"() ({
      %run_scoped3A = tpu.sem_alloc : memref<!tpu.dma_semaphore, #tpu.memory_space<semaphore_mem>>
      %dma_start3A_13 = arith.constant 0 : i32
      %dma_start3A_14 = tpu.memref_slice %arg5[%arg0, %mul3A_0, %dma_start3A_13] : memref<2x10240x64xf32, #tpu.memory_space<hbm>> -> memref<1x640x64xf32, #tpu.memory_space<hbm>>
      %dma_start3A_15 = tpu.memref_squeeze %dma_start3A_14 : memref<1x640x64xf32, #tpu.memory_space<hbm>> -> memref<640x64xf32, #tpu.memory_space<hbm>>
      %dma_start3A_16 = arith.constant 0 : i32
      %dma_start3A_17 = tpu.memref_slice %arg7[%mul3A_0, %dma_start3A_16] : memref<10240x64xf32, #tpu.memory_space<vmem_shared>> -> memref<640x64xf32, #tpu.memory_space<vmem_shared>>
      tpu.enqueue_dma source(%dma_start3A_17 : memref<640x64xf32, #tpu.memory_space<vmem_shared>>) target(%dma_start3A_15 : memref<640x64xf32, #tpu.memory_space<hbm>>) target_semaphore(%run_scoped3A : memref<!tpu.dma_semaphore, #tpu.memory_space<semaphore_mem>>)
      %dma_wait3A_18 = arith.constant 0 : i32
      %dma_wait3A_19 = tpu.memref_slice %arg5[%arg0, %mul3A_0, %dma_wait3A_18] : memref<2x10240x64xf32, #tpu.memory_space<hbm>> -> memref<1x640x64xf32, #tpu.memory_space<hbm>>
      %dma_wait3A_20 = tpu.memref_squeeze %dma_wait3A_19 : memref<1x640x64xf32, #tpu.memory_space<hbm>> -> memref<640x64xf32, #tpu.memory_space<hbm>>
      %dma_wait3A_21 = arith.constant 0 : i32
      %dma_wait3A_22 = tpu.memref_slice %arg7[%mul3A_0, %dma_wait3A_21] : memref<10240x64xf32, #tpu.memory_space<vmem_shared>> -> memref<640x64xf32, #tpu.memory_space<vmem_shared>>
      tpu.wait_dma2 semaphore(%run_scoped3A : memref<!tpu.dma_semaphore, #tpu.memory_space<semaphore_mem>>) src(%dma_wait3A_22 : memref<640x64xf32, #tpu.memory_space<vmem_shared>>) dst(%dma_wait3A_20 : memref<640x64xf32, #tpu.memory_space<hbm>>)
      tpu.yield
    }) : () -> ()
    return
  }
}

module attributes {stable_mosaic.version = 14 : i64} {
  func.func @_tmid_body(%arg0: i32, %arg1: memref<2x512x8xf32, #tpu.memory_space<vmem>>, %arg2: memref<2x512x64xf32, #tpu.memory_space<vmem>>, %arg3: memref<1x128xf32, #tpu.memory_space<vmem>>, %arg4: memref<128x128xf32, #tpu.memory_space<vmem>>, %arg5: memref<2x512x64xf32, #tpu.memory_space<vmem>>) attributes {dimension_semantics = [#tpu.dimension_semantics<arbitrary>], iteration_bounds = array<i64: 20>, scalar_prefetch = 0 : i64, scratch_operands = 0 : i64, tpu.core_type = #tpu.core_type<tc>, window_params = [{transform_indices = @transform_0, window_bounds = array<i64: 2, 512, 8>}, {transform_indices = @transform_1, window_bounds = array<i64: 2, 512, 64>}, {pipeline_mode = #tpu.pipeline_mode<synchronous>, transform_indices = @transform_2, window_bounds = array<i64: 1, 128>}, {pipeline_mode = #tpu.pipeline_mode<synchronous>, transform_indices = @transform_3, window_bounds = array<i64: 128, 128>}, {transform_indices = @transform_4, window_bounds = array<i64: 2, 512, 64>}]} {
    %get3A = arith.constant 0 : index
    %get3A_0 = arith.constant 0 : index
    %get3A_1 = arith.constant 0 : index
    %get3A_2 = vector.load %arg1[%get3A, %get3A_0, %get3A_1] : memref<2x512x8xf32, #tpu.memory_space<vmem>>, vector<1x512x8xf32>
    %get3A_3 = vector.shape_cast %get3A_2 : vector<1x512x8xf32> to vector<512x8xf32>
    %slice3A = vector.extract_strided_slice %get3A_3 {offsets = [0, 0], sizes = [512, 1], strides = [1, 1]} : vector<512x8xf32> to vector<512x1xf32>
    %get3A_4 = arith.constant 1 : index
    %get3A_5 = arith.constant 0 : index
    %get3A_6 = arith.constant 0 : index
    %get3A_7 = vector.load %arg1[%get3A_4, %get3A_5, %get3A_6] : memref<2x512x8xf32, #tpu.memory_space<vmem>>, vector<1x512x8xf32>
    %get3A_8 = vector.shape_cast %get3A_7 : vector<1x512x8xf32> to vector<512x8xf32>
    %slice3A_9 = vector.extract_strided_slice %get3A_8 {offsets = [0, 0], sizes = [512, 1], strides = [1, 1]} : vector<512x8xf32> to vector<512x1xf32>
    %add3A = arith.addf %slice3A, %slice3A_9 : vector<512x1xf32>
    %sub3A = arith.constant 1.000000e+00 : f32
    %sub3A_10 = vector.broadcast %sub3A : f32 to vector<512x1xf32>
    %sub3A_11 = arith.subf %add3A, %sub3A_10 : vector<512x1xf32>
    %mul3A = arith.constant 512 : i32
    %mul3A_12 = arith.muli %arg0, %mul3A : i32
    %iota3A = tpu.iota {dimensions = array<i32: 0>} : vector<512x1xi32>
    %add3A_13 = vector.broadcast %mul3A_12 : i32 to vector<512x1xi32>
    %add3A_14 = arith.addi %add3A_13, %iota3A : vector<512x1xi32>
    %lt3A = arith.constant 10000 : i32
    %lt3A_15 = vector.broadcast %lt3A : i32 to vector<512x1xi32>
    %lt3A_16 = arith.cmpi slt, %add3A_14, %lt3A_15 : vector<512x1xi32>
    %rsqrt3A = math.rsqrt %sub3A_11 : vector<512x1xf32>
    %jit3A = arith.constant 0.000000e+00 : f32
    %broadcast_in_dim3A = vector.broadcast %jit3A : f32 to vector<512x1xf32>
    %select_n3A = arith.select %lt3A_16, %rsqrt3A, %broadcast_in_dim3A : vector<512x1xi1>, vector<512x1xf32>
    %get3A_17 = arith.constant 0 : index
    %get3A_18 = arith.constant 0 : index
    %get3A_19 = arith.constant 0 : index
    %get3A_20 = vector.load %arg2[%get3A_17, %get3A_18, %get3A_19] : memref<2x512x64xf32, #tpu.memory_space<vmem>>, vector<1x512x64xf32>
    %get3A_21 = vector.shape_cast %get3A_20 : vector<1x512x64xf32> to vector<512x64xf32>
    %get3A_22 = arith.constant 1 : index
    %get3A_23 = arith.constant 0 : index
    %get3A_24 = arith.constant 0 : index
    %get3A_25 = vector.load %arg2[%get3A_22, %get3A_23, %get3A_24] : memref<2x512x64xf32, #tpu.memory_space<vmem>>, vector<1x512x64xf32>
    %get3A_26 = vector.shape_cast %get3A_25 : vector<1x512x64xf32> to vector<512x64xf32>
    %concatenate3A = tpu.concatenate %get3A_21, %get3A_26 in 1 : vector<512x64xf32>, vector<512x64xf32> -> vector<512x128xf32>
    %mul3A_27 = vector.broadcast %select_n3A : vector<512x1xf32> to vector<512x128xf32>
    %mul3A_28 = arith.mulf %mul3A_27, %concatenate3A : vector<512x128xf32>
    %get3A_29 = arith.constant 0 : index
    %get3A_30 = arith.constant 0 : index
    %get3A_31 = vector.load %arg3[%get3A_29, %get3A_30] : memref<1x128xf32, #tpu.memory_space<vmem>>, vector<1x128xf32>
    %add3A_32 = vector.broadcast %get3A_31 : vector<1x128xf32> to vector<512x128xf32>
    %add3A_33 = arith.addf %mul3A_28, %add3A_32 : vector<512x128xf32>
    %tanh3A = math.tanh %add3A_33 : vector<512x128xf32>
    %get3A_34 = arith.constant 0 : index
    %get3A_35 = arith.constant 0 : index
    %get3A_36 = vector.load %arg4[%get3A_34, %get3A_35] : memref<128x128xf32, #tpu.memory_space<vmem>>, vector<128x128xf32>
    %dot_general3A = arith.constant dense<0.000000e+00> : vector<512x128xf32>
    %dot_general3A_37 = tpu.matmul %tanh3A, %get3A_36, %dot_general3A {dimension_numbers = #tpu.dot_dimension_numbers<[1], [0], [0], [1], [0, 0, 1, 1], [], []>, transpose_lhs_hint = false} : vector<512x128xf32>, vector<128x128xf32>, vector<512x128xf32> -> vector<512x128xf32>
    %mul3A_38 = vector.broadcast %select_n3A : vector<512x1xf32> to vector<512x128xf32>
    %mul3A_39 = arith.mulf %mul3A_38, %dot_general3A_37 : vector<512x128xf32>
    %slice3A_40 = vector.extract_strided_slice %mul3A_39 {offsets = [0, 0], sizes = [512, 64], strides = [1, 1]} : vector<512x128xf32> to vector<512x64xf32>
    %swap3A = arith.constant 0 : index
    %swap3A_41 = arith.constant 0 : index
    %swap3A_42 = arith.constant 0 : index
    %swap3A_43 = vector.load %arg5[%swap3A, %swap3A_41, %swap3A_42] : memref<2x512x64xf32, #tpu.memory_space<vmem>>, vector<1x512x64xf32>
    %swap3A_44 = vector.shape_cast %swap3A_43 : vector<1x512x64xf32> to vector<512x64xf32>
    %swap3A_45 = vector.shape_cast %slice3A_40 : vector<512x64xf32> to vector<1x512x64xf32>
    tpu.vector_store %arg5[%swap3A, %swap3A_41, %swap3A_42], %swap3A_45 {strides = array<i32>} : memref<2x512x64xf32, #tpu.memory_space<vmem>>, vector<1x512x64xf32>,
    %slice3A_46 = vector.extract_strided_slice %mul3A_39 {offsets = [0, 64], sizes = [512, 64], strides = [1, 1]} : vector<512x128xf32> to vector<512x64xf32>
    %swap3A_47 = arith.constant 1 : index
    %swap3A_48 = arith.constant 0 : index
    %swap3A_49 = arith.constant 0 : index
    %swap3A_50 = vector.load %arg5[%swap3A_47, %swap3A_48, %swap3A_49] : memref<2x512x64xf32, #tpu.memory_space<vmem>>, vector<1x512x64xf32>
    %swap3A_51 = vector.shape_cast %swap3A_50 : vector<1x512x64xf32> to vector<512x64xf32>
    %swap3A_52 = vector.shape_cast %slice3A_46 : vector<512x64xf32> to vector<1x512x64xf32>
    tpu.vector_store %arg5[%swap3A_47, %swap3A_48, %swap3A_49], %swap3A_52 {strides = array<i32>} : memref<2x512x64xf32, #tpu.memory_space<vmem>>, vector<1x512x64xf32>,
    return
  }
  func.func @transform_0(%arg0: i32) -> (i32, i32, i32) {
    %c0_i32 = arith.constant 0 : i32
    %c0_i32_0 = arith.constant 0 : i32
    %c0_i32_1 = arith.constant 0 : i32
    return %c0_i32, %arg0, %c0_i32_0 : i32, i32, i32
  }
  func.func @transform_1(%arg0: i32) -> (i32, i32, i32) {
    %c0_i32 = arith.constant 0 : i32
    %c0_i32_0 = arith.constant 0 : i32
    %c0_i32_1 = arith.constant 0 : i32
    return %c0_i32, %arg0, %c0_i32_0 : i32, i32, i32
  }
  func.func @transform_2(%arg0: i32) -> (i32, i32) {
    %c0_i32 = arith.constant 0 : i32
    %c0_i32_0 = arith.constant 0 : i32
    %c0_i32_1 = arith.constant 0 : i32
    return %c0_i32, %c0_i32_0 : i32, i32
  }
  func.func @transform_3(%arg0: i32) -> (i32, i32) {
    %c0_i32 = arith.constant 0 : i32
    %c0_i32_0 = arith.constant 0 : i32
    %c0_i32_1 = arith.constant 0 : i32
    return %c0_i32, %c0_i32_0 : i32, i32
  }
  func.func @transform_4(%arg0: i32) -> (i32, i32, i32) {
    %c0_i32 = arith.constant 0 : i32
    %c0_i32_0 = arith.constant 0 : i32
    %c0_i32_1 = arith.constant 0 : i32
    return %c0_i32, %arg0, %c0_i32_0 : i32, i32, i32
  }
}

module attributes {stable_mosaic.version = 14 : i64} {
  func.func @_t0_body(%arg0: i32, %arg1: memref<2x512x8xf32, #tpu.memory_space<vmem>>, %arg2: memref<512x128xf32, #tpu.memory_space<vmem>>, %arg3: memref<128x128xf32, #tpu.memory_space<vmem>>, %arg4: memref<2x512x64xf32, #tpu.memory_space<vmem>>) attributes {dimension_semantics = [#tpu.dimension_semantics<arbitrary>], iteration_bounds = array<i64: 20>, scalar_prefetch = 0 : i64, scratch_operands = 0 : i64, tpu.core_type = #tpu.core_type<tc>, window_params = [{transform_indices = @transform_0, window_bounds = array<i64: 2, 512, 8>}, {transform_indices = @transform_1, window_bounds = array<i64: 512, 128>}, {pipeline_mode = #tpu.pipeline_mode<synchronous>, transform_indices = @transform_2, window_bounds = array<i64: 128, 128>}, {transform_indices = @transform_3, window_bounds = array<i64: 2, 512, 64>}]} {
    %get3A = arith.constant 0 : index
    %get3A_0 = arith.constant 0 : index
    %get3A_1 = arith.constant 0 : index
    %get3A_2 = vector.load %arg1[%get3A, %get3A_0, %get3A_1] : memref<2x512x8xf32, #tpu.memory_space<vmem>>, vector<1x512x8xf32>
    %get3A_3 = vector.shape_cast %get3A_2 : vector<1x512x8xf32> to vector<512x8xf32>
    %slice3A = vector.extract_strided_slice %get3A_3 {offsets = [0, 0], sizes = [512, 1], strides = [1, 1]} : vector<512x8xf32> to vector<512x1xf32>
    %get3A_4 = arith.constant 1 : index
    %get3A_5 = arith.constant 0 : index
    %get3A_6 = arith.constant 0 : index
    %get3A_7 = vector.load %arg1[%get3A_4, %get3A_5, %get3A_6] : memref<2x512x8xf32, #tpu.memory_space<vmem>>, vector<1x512x8xf32>
    %get3A_8 = vector.shape_cast %get3A_7 : vector<1x512x8xf32> to vector<512x8xf32>
    %slice3A_9 = vector.extract_strided_slice %get3A_8 {offsets = [0, 0], sizes = [512, 1], strides = [1, 1]} : vector<512x8xf32> to vector<512x1xf32>
    %add3A = arith.addf %slice3A, %slice3A_9 : vector<512x1xf32>
    %sub3A = arith.constant 1.000000e+00 : f32
    %sub3A_10 = vector.broadcast %sub3A : f32 to vector<512x1xf32>
    %sub3A_11 = arith.subf %add3A, %sub3A_10 : vector<512x1xf32>
    %mul3A = arith.constant 512 : i32
    %mul3A_12 = arith.muli %arg0, %mul3A : i32
    %iota3A = tpu.iota {dimensions = array<i32: 0>} : vector<512x1xi32>
    %add3A_13 = vector.broadcast %mul3A_12 : i32 to vector<512x1xi32>
    %add3A_14 = arith.addi %add3A_13, %iota3A : vector<512x1xi32>
    %lt3A = arith.constant 10000 : i32
    %lt3A_15 = vector.broadcast %lt3A : i32 to vector<512x1xi32>
    %lt3A_16 = arith.cmpi slt, %add3A_14, %lt3A_15 : vector<512x1xi32>
    %rsqrt3A = math.rsqrt %sub3A_11 : vector<512x1xf32>
    %jit3A = arith.constant 0.000000e+00 : f32
    %broadcast_in_dim3A = vector.broadcast %jit3A : f32 to vector<512x1xf32>
    %select_n3A = arith.select %lt3A_16, %rsqrt3A, %broadcast_in_dim3A : vector<512x1xi1>, vector<512x1xf32>
    %get3A_17 = arith.constant 0 : index
    %get3A_18 = arith.constant 0 : index
    %get3A_19 = vector.load %arg2[%get3A_17, %get3A_18] : memref<512x128xf32, #tpu.memory_space<vmem>>, vector<512x128xf32>
    %get3A_20 = arith.constant 0 : index
    %get3A_21 = arith.constant 0 : index
    %get3A_22 = vector.load %arg3[%get3A_20, %get3A_21] : memref<128x128xf32, #tpu.memory_space<vmem>>, vector<128x128xf32>
    %dot_general3A = arith.constant dense<0.000000e+00> : vector<512x128xf32>
    %dot_general3A_23 = tpu.matmul %get3A_19, %get3A_22, %dot_general3A {dimension_numbers = #tpu.dot_dimension_numbers<[1], [0], [0], [1], [0, 0, 1, 1], [], []>, transpose_lhs_hint = false} : vector<512x128xf32>, vector<128x128xf32>, vector<512x128xf32> -> vector<512x128xf32>
    %mul3A_24 = vector.broadcast %select_n3A : vector<512x1xf32> to vector<512x128xf32>
    %mul3A_25 = arith.mulf %mul3A_24, %dot_general3A_23 : vector<512x128xf32>
    %slice3A_26 = vector.extract_strided_slice %mul3A_25 {offsets = [0, 0], sizes = [512, 64], strides = [1, 1]} : vector<512x128xf32> to vector<512x64xf32>
    %swap3A = arith.constant 0 : index
    %swap3A_27 = arith.constant 0 : index
    %swap3A_28 = arith.constant 0 : index
    %swap3A_29 = vector.load %arg4[%swap3A, %swap3A_27, %swap3A_28] : memref<2x512x64xf32, #tpu.memory_space<vmem>>, vector<1x512x64xf32>
    %swap3A_30 = vector.shape_cast %swap3A_29 : vector<1x512x64xf32> to vector<512x64xf32>
    %swap3A_31 = vector.shape_cast %slice3A_26 : vector<512x64xf32> to vector<1x512x64xf32>
    tpu.vector_store %arg4[%swap3A, %swap3A_27, %swap3A_28], %swap3A_31 {strides = array<i32>} : memref<2x512x64xf32, #tpu.memory_space<vmem>>, vector<1x512x64xf32>,
    %slice3A_32 = vector.extract_strided_slice %mul3A_25 {offsets = [0, 64], sizes = [512, 64], strides = [1, 1]} : vector<512x128xf32> to vector<512x64xf32>
    %swap3A_33 = arith.constant 1 : index
    %swap3A_34 = arith.constant 0 : index
    %swap3A_35 = arith.constant 0 : index
    %swap3A_36 = vector.load %arg4[%swap3A_33, %swap3A_34, %swap3A_35] : memref<2x512x64xf32, #tpu.memory_space<vmem>>, vector<1x512x64xf32>
    %swap3A_37 = vector.shape_cast %swap3A_36 : vector<1x512x64xf32> to vector<512x64xf32>
    %swap3A_38 = vector.shape_cast %slice3A_32 : vector<512x64xf32> to vector<1x512x64xf32>
    tpu.vector_store %arg4[%swap3A_33, %swap3A_34, %swap3A_35], %swap3A_38 {strides = array<i32>} : memref<2x512x64xf32, #tpu.memory_space<vmem>>, vector<1x512x64xf32>,
    return
  }
  func.func @transform_0(%arg0: i32) -> (i32, i32, i32) {
    %c0_i32 = arith.constant 0 : i32
    %c0_i32_0 = arith.constant 0 : i32
    %c0_i32_1 = arith.constant 0 : i32
    return %c0_i32, %arg0, %c0_i32_0 : i32, i32, i32
  }
  func.func @transform_1(%arg0: i32) -> (i32, i32) {
    %c0_i32 = arith.constant 0 : i32
    %c0_i32_0 = arith.constant 0 : i32
    return %arg0, %c0_i32 : i32, i32
  }
  func.func @transform_2(%arg0: i32) -> (i32, i32) {
    %c0_i32 = arith.constant 0 : i32
    %c0_i32_0 = arith.constant 0 : i32
    %c0_i32_1 = arith.constant 0 : i32
    return %c0_i32, %c0_i32_0 : i32, i32
  }
  func.func @transform_3(%arg0: i32) -> (i32, i32, i32) {
    %c0_i32 = arith.constant 0 : i32
    %c0_i32_0 = arith.constant 0 : i32
    %c0_i32_1 = arith.constant 0 : i32
    return %c0_i32, %arg0, %c0_i32_0 : i32, i32, i32
  }
}

module attributes {stable_mosaic.version = 14 : i64} {
  func.func @_head_body(%arg0: i32, %arg1: memref<2x512x8xf32, #tpu.memory_space<vmem>>, %arg2: memref<2x512x64xf32, #tpu.memory_space<vmem>>, %arg3: memref<1x128xf32, #tpu.memory_space<vmem>>, %arg4: memref<128x128xf32, #tpu.memory_space<vmem>>, %arg5: memref<1x128xf32, #tpu.memory_space<vmem>>, %arg6: memref<128x32xf32, #tpu.memory_space<vmem>>, %arg7: memref<1x32xf32, #tpu.memory_space<vmem>>, %arg8: memref<32x1xf32, #tpu.memory_space<vmem>>, %arg9: memref<1x1xf32, #tpu.memory_space<vmem>>, %arg10: memref<512x1xi32, #tpu.memory_space<vmem>>, %arg11: memref<4096x1xi32, #tpu.memory_space<vmem>>, %arg12: memref<4096x1xi32, #tpu.memory_space<vmem>>, %arg13: memref<256x1xf32, #tpu.memory_space<vmem>>, %arg14: memref<256x1xf32, #tpu.memory_space<vmem>>, %arg15: memref<256x1xf32, #tpu.memory_space<vmem>>, %arg16: memref<4096x1xf32, #tpu.memory_space<vmem>>) attributes {dimension_semantics = [#tpu.dimension_semantics<arbitrary>], iteration_bounds = array<i64: 20>, scalar_prefetch = 0 : i64, scratch_operands = 0 : i64, tpu.core_type = #tpu.core_type<tc>, window_params = [{transform_indices = @transform_0, window_bounds = array<i64: 2, 512, 8>}, {transform_indices = @transform_1, window_bounds = array<i64: 2, 512, 64>}, {pipeline_mode = #tpu.pipeline_mode<synchronous>, transform_indices = @transform_2, window_bounds = array<i64: 1, 128>}, {pipeline_mode = #tpu.pipeline_mode<synchronous>, transform_indices = @transform_3, window_bounds = array<i64: 128, 128>}, {pipeline_mode = #tpu.pipeline_mode<synchronous>, transform_indices = @transform_4, window_bounds = array<i64: 1, 128>}, {pipeline_mode = #tpu.pipeline_mode<synchronous>, transform_indices = @transform_5, window_bounds = array<i64: 128, 32>}, {pipeline_mode = #tpu.pipeline_mode<synchronous>, transform_indices = @transform_6, window_bounds = array<i64: 1, 32>}, {pipeline_mode = #tpu.pipeline_mode<synchronous>, transform_indices = @transform_7, window_bounds = array<i64: 32, 1>}, {pipeline_mode = #tpu.pipeline_mode<synchronous>, transform_indices = @transform_8, window_bounds = array<i64: 1, 1>}, {transform_indices = @transform_9, window_bounds = array<i64: 512, 1>}, {pipeline_mode = #tpu.pipeline_mode<synchronous>, transform_indices = @transform_10, window_bounds = array<i64: 4096, 1>}, {pipeline_mode = #tpu.pipeline_mode<synchronous>, transform_indices = @transform_11, window_bounds = array<i64: 4096, 1>}, {pipeline_mode = #tpu.pipeline_mode<synchronous>, transform_indices = @transform_12, window_bounds = array<i64: 256, 1>}, {pipeline_mode = #tpu.pipeline_mode<synchronous>, transform_indices = @transform_13, window_bounds = array<i64: 256, 1>}, {pipeline_mode = #tpu.pipeline_mode<synchronous>, transform_indices = @transform_14, window_bounds = array<i64: 256, 1>}, {pipeline_mode = #tpu.pipeline_mode<synchronous>, transform_indices = @transform_15, window_bounds = array<i64: 4096, 1>}]} {
    %get3A = arith.constant 0 : index
    %get3A_0 = arith.constant 0 : index
    %get3A_1 = arith.constant 0 : index
    %get3A_2 = vector.load %arg1[%get3A, %get3A_0, %get3A_1] : memref<2x512x8xf32, #tpu.memory_space<vmem>>, vector<1x512x8xf32>
    %get3A_3 = vector.shape_cast %get3A_2 : vector<1x512x8xf32> to vector<512x8xf32>
    %slice3A = vector.extract_strided_slice %get3A_3 {offsets = [0, 0], sizes = [512, 1], strides = [1, 1]} : vector<512x8xf32> to vector<512x1xf32>
    %get3A_4 = arith.constant 1 : index
    %get3A_5 = arith.constant 0 : index
    %get3A_6 = arith.constant 0 : index
    %get3A_7 = vector.load %arg1[%get3A_4, %get3A_5, %get3A_6] : memref<2x512x8xf32, #tpu.memory_space<vmem>>, vector<1x512x8xf32>
    %get3A_8 = vector.shape_cast %get3A_7 : vector<1x512x8xf32> to vector<512x8xf32>
    %slice3A_9 = vector.extract_strided_slice %get3A_8 {offsets = [0, 0], sizes = [512, 1], strides = [1, 1]} : vector<512x8xf32> to vector<512x1xf32>
    %add3A = arith.addf %slice3A, %slice3A_9 : vector<512x1xf32>
    %sub3A = arith.constant 1.000000e+00 : f32
    %sub3A_10 = vector.broadcast %sub3A : f32 to vector<512x1xf32>
    %sub3A_11 = arith.subf %add3A, %sub3A_10 : vector<512x1xf32>
    %mul3A = arith.constant 512 : i32
    %mul3A_12 = arith.muli %arg0, %mul3A : i32
    %iota3A = tpu.iota {dimensions = array<i32: 0>} : vector<512x1xi32>
    %add3A_13 = vector.broadcast %mul3A_12 : i32 to vector<512x1xi32>
    %add3A_14 = arith.addi %add3A_13, %iota3A : vector<512x1xi32>
    %lt3A = arith.constant 10000 : i32
    %lt3A_15 = vector.broadcast %lt3A : i32 to vector<512x1xi32>
    %lt3A_16 = arith.cmpi slt, %add3A_14, %lt3A_15 : vector<512x1xi32>
    %rsqrt3A = math.rsqrt %sub3A_11 : vector<512x1xf32>
    %jit3A = arith.constant 0.000000e+00 : f32
    %broadcast_in_dim3A = vector.broadcast %jit3A : f32 to vector<512x1xf32>
    %select_n3A = arith.select %lt3A_16, %rsqrt3A, %broadcast_in_dim3A : vector<512x1xi1>, vector<512x1xf32>
    %get3A_17 = arith.constant 0 : index
    %get3A_18 = arith.constant 0 : index
    %get3A_19 = arith.constant 0 : index
    %get3A_20 = vector.load %arg2[%get3A_17, %get3A_18, %get3A_19] : memref<2x512x64xf32, #tpu.memory_space<vmem>>, vector<1x512x64xf32>
    %get3A_21 = vector.shape_cast %get3A_20 : vector<1x512x64xf32> to vector<512x64xf32>
    %get3A_22 = arith.constant 1 : index
    %get3A_23 = arith.constant 0 : index
    %get3A_24 = arith.constant 0 : index
    %get3A_25 = vector.load %arg2[%get3A_22, %get3A_23, %get3A_24] : memref<2x512x64xf32, #tpu.memory_space<vmem>>, vector<1x512x64xf32>
    %get3A_26 = vector.shape_cast %get3A_25 : vector<1x512x64xf32> to vector<512x64xf32>
    %concatenate3A = tpu.concatenate %get3A_21, %get3A_26 in 1 : vector<512x64xf32>, vector<512x64xf32> -> vector<512x128xf32>
    %mul3A_27 = vector.broadcast %select_n3A : vector<512x1xf32> to vector<512x128xf32>
    %mul3A_28 = arith.mulf %mul3A_27, %concatenate3A : vector<512x128xf32>
    %get3A_29 = arith.constant 0 : index
    %get3A_30 = arith.constant 0 : index
    %get3A_31 = vector.load %arg3[%get3A_29, %get3A_30] : memref<1x128xf32, #tpu.memory_space<vmem>>, vector<1x128xf32>
    %add3A_32 = vector.broadcast %get3A_31 : vector<1x128xf32> to vector<512x128xf32>
    %add3A_33 = arith.addf %mul3A_28, %add3A_32 : vector<512x128xf32>
    %tanh3A = math.tanh %add3A_33 : vector<512x128xf32>
    %get3A_34 = arith.constant 0 : index
    %get3A_35 = arith.constant 0 : index
    %get3A_36 = vector.load %arg4[%get3A_34, %get3A_35] : memref<128x128xf32, #tpu.memory_space<vmem>>, vector<128x128xf32>
    %dot_general3A = arith.constant dense<0.000000e+00> : vector<512x128xf32>
    %dot_general3A_37 = tpu.matmul %tanh3A, %get3A_36, %dot_general3A {dimension_numbers = #tpu.dot_dimension_numbers<[1], [0], [0], [1], [0, 0, 1, 1], [], []>, transpose_lhs_hint = false} : vector<512x128xf32>, vector<128x128xf32>, vector<512x128xf32> -> vector<512x128xf32>
    %get3A_38 = arith.constant 0 : index
    %get3A_39 = arith.constant 0 : index
    %get3A_40 = vector.load %arg5[%get3A_38, %get3A_39] : memref<1x128xf32, #tpu.memory_space<vmem>>, vector<1x128xf32>
    %add3A_41 = vector.broadcast %get3A_40 : vector<1x128xf32> to vector<512x128xf32>
    %add3A_42 = arith.addf %dot_general3A_37, %add3A_41 : vector<512x128xf32>
    %tanh3A_43 = math.tanh %add3A_42 : vector<512x128xf32>
    %get3A_44 = arith.constant 0 : index
    %get3A_45 = arith.constant 0 : index
    %get3A_46 = vector.load %arg6[%get3A_44, %get3A_45] : memref<128x32xf32, #tpu.memory_space<vmem>>, vector<128x32xf32>
    %dot_general3A_47 = arith.constant dense<0.000000e+00> : vector<512x32xf32>
    %dot_general3A_48 = tpu.matmul %tanh3A_43, %get3A_46, %dot_general3A_47 {dimension_numbers = #tpu.dot_dimension_numbers<[1], [0], [0], [1], [0, 0, 1, 1], [], []>, transpose_lhs_hint = false} : vector<512x128xf32>, vector<128x32xf32>, vector<512x32xf32> -> vector<512x32xf32>
    %get3A_49 = arith.constant 0 : index
    %get3A_50 = arith.constant 0 : index
    %get3A_51 = vector.load %arg7[%get3A_49, %get3A_50] : memref<1x32xf32, #tpu.memory_space<vmem>>, vector<1x32xf32>
    %add3A_52 = vector.broadcast %get3A_51 : vector<1x32xf32> to vector<512x32xf32>
    %add3A_53 = arith.addf %dot_general3A_48, %add3A_52 : vector<512x32xf32>
    %tanh3A_54 = math.tanh %add3A_53 : vector<512x32xf32>
    %get3A_55 = arith.constant 0 : index
    %get3A_56 = arith.constant 0 : index
    %get3A_57 = vector.load %arg8[%get3A_55, %get3A_56] : memref<32x1xf32, #tpu.memory_space<vmem>>, vector<32x1xf32>
    %dot_general3A_58 = arith.constant dense<0.000000e+00> : vector<512x1xf32>
    %dot_general3A_59 = tpu.matmul %tanh3A_54, %get3A_57, %dot_general3A_58 {dimension_numbers = #tpu.dot_dimension_numbers<[1], [0], [0], [1], [0, 0, 1, 1], [], []>, transpose_lhs_hint = false} : vector<512x32xf32>, vector<32x1xf32>, vector<512x1xf32> -> vector<512x1xf32>
    %get3A_60 = arith.constant 0 : index
    %get3A_61 = arith.constant 0 : index
    %get3A_62 = vector.load %arg9[%get3A_60, %get3A_61] : memref<1x1xf32, #tpu.memory_space<vmem>>, vector<1x1xf32>
    %add3A_63 = vector.broadcast %get3A_62 : vector<1x1xf32> to vector<512x1xf32>
    %add3A_64 = arith.addf %dot_general3A_59, %add3A_63 : vector<512x1xf32>
    %mul3A_65 = arith.constant 512 : i32
    %mul3A_66 = arith.muli %arg0, %mul3A_65 : i32
    %iota3A_67 = tpu.iota {dimensions = array<i32: 0>} : vector<512x1xi32>
    %add3A_68 = vector.broadcast %mul3A_66 : i32 to vector<512x1xi32>
    %add3A_69 = arith.addi %add3A_68, %iota3A_67 : vector<512x1xi32>
    %get3A_70 = arith.constant 0 : index
    %get3A_71 = arith.constant 0 : index
    %get3A_72 = vector.load %arg10[%get3A_70, %get3A_71] : memref<512x1xi32, #tpu.memory_space<vmem>>, vector<512x1xi32>
    %iota3A_73 = tpu.iota {dimensions = array<i32: 1>} : vector<512x256xi32>
    %eq3A = vector.broadcast %get3A_72 : vector<512x1xi32> to vector<512x256xi32>
    %eq3A_74 = arith.cmpi eq, %eq3A, %iota3A_73 : vector<512x256xi32>
    %lt3A_75 = arith.constant 10000 : i32
    %lt3A_76 = vector.broadcast %lt3A_75 : i32 to vector<512x1xi32>
    %lt3A_77 = arith.cmpi slt, %add3A_69, %lt3A_76 : vector<512x1xi32>
    %and3A = vector.broadcast %lt3A_77 : vector<512x1xi1> to vector<512x256xi1>
    %and3A_78 = arith.andi %eq3A_74, %and3A : vector<512x256xi1>
    %convert_element_type3A = arith.extui %and3A_78 : vector<512x256xi1> to vector<512x256xi32>
    %convert_element_type3A_79 = arith.sitofp %convert_element_type3A : vector<512x256xi32> to vector<512x256xf32>
    %dot_general3A_80 = arith.constant dense<0.000000e+00> : vector<256x1xf32>
    %dot_general3A_81 = tpu.matmul %convert_element_type3A_79, %add3A_64, %dot_general3A_80 {dimension_numbers = #tpu.dot_dimension_numbers<[0], [0], [1], [1], [0, 1, 1, 1], [], []>, transpose_lhs_hint = false} : vector<512x256xf32>, vector<512x1xf32>, vector<256x1xf32> -> vector<256x1xf32>
    %reduce_sum3A = arith.constant dense<0.000000e+00> : vector<256xf32>
    %reduce_sum3A_82 = vector.multi_reduction <add>, %convert_element_type3A_79, %reduce_sum3A [0] : vector<512x256xf32> to vector<256xf32>
    %broadcast_in_dim3A_83 = vector.shape_cast %reduce_sum3A_82 : vector<256xf32> to vector<256x1xf32>
    %eq3A_84 = arith.constant 0 : i32
    %eq3A_85 = arith.cmpi eq, %arg0, %eq3A_84 : i32
    %convert_element_type3A_86 = arith.extui %eq3A_85 : i1 to i32
    %cond3A = arith.constant 0 : i32
    %cond3A_87 = arith.cmpi ne, %convert_element_type3A_86, %cond3A : i32
    scf.if %cond3A_87 {
      %broadcast_in_dim3A_106 = arith.constant 0.000000e+00 : f32
      %broadcast_in_dim3A_107 = vector.broadcast %broadcast_in_dim3A_106 : f32 to vector<256x1xf32>
      %swap3A_108 = arith.constant 0 : index
      %swap3A_109 = arith.constant 0 : index
      %swap3A_110 = vector.load %arg13[%swap3A_108, %swap3A_109] : memref<256x1xf32, #tpu.memory_space<vmem>>, vector<256x1xf32>
      tpu.vector_store %arg13[%swap3A_108, %swap3A_109], %broadcast_in_dim3A_107 {strides = array<i32>} : memref<256x1xf32, #tpu.memory_space<vmem>>, vector<256x1xf32>,
      %broadcast_in_dim3A_111 = arith.constant 0.000000e+00 : f32
      %broadcast_in_dim3A_112 = vector.broadcast %broadcast_in_dim3A_111 : f32 to vector<256x1xf32>
      %swap3A_113 = arith.constant 0 : index
      %swap3A_114 = arith.constant 0 : index
      %swap3A_115 = vector.load %arg14[%swap3A_113, %swap3A_114] : memref<256x1xf32, #tpu.memory_space<vmem>>, vector<256x1xf32>
      tpu.vector_store %arg14[%swap3A_113, %swap3A_114], %broadcast_in_dim3A_112 {strides = array<i32>} : memref<256x1xf32, #tpu.memory_space<vmem>>, vector<256x1xf32>,
    } else {
    }
    %get3A_88 = arith.constant 0 : index
    %get3A_89 = arith.constant 0 : index
    %get3A_90 = vector.load %arg13[%get3A_88, %get3A_89] : memref<256x1xf32, #tpu.memory_space<vmem>>, vector<256x1xf32>
    %add3A_91 = arith.addf %get3A_90, %dot_general3A_81 : vector<256x1xf32>
    %swap3A = arith.constant 0 : index
    %swap3A_92 = arith.constant 0 : index
    %swap3A_93 = vector.load %arg13[%swap3A, %swap3A_92] : memref<256x1xf32, #tpu.memory_space<vmem>>, vector<256x1xf32>
    tpu.vector_store %arg13[%swap3A, %swap3A_92], %add3A_91 {strides = array<i32>} : memref<256x1xf32, #tpu.memory_space<vmem>>, vector<256x1xf32>,
    %get3A_94 = arith.constant 0 : index
    %get3A_95 = arith.constant 0 : index
    %get3A_96 = vector.load %arg14[%get3A_94, %get3A_95] : memref<256x1xf32, #tpu.memory_space<vmem>>, vector<256x1xf32>
    %add3A_97 = arith.addf %get3A_96, %broadcast_in_dim3A_83 : vector<256x1xf32>
    %swap3A_98 = arith.constant 0 : index
    %swap3A_99 = arith.constant 0 : index
    %swap3A_100 = vector.load %arg14[%swap3A_98, %swap3A_99] : memref<256x1xf32, #tpu.memory_space<vmem>>, vector<256x1xf32>
    tpu.vector_store %arg14[%swap3A_98, %swap3A_99], %add3A_97 {strides = array<i32>} : memref<256x1xf32, #tpu.memory_space<vmem>>, vector<256x1xf32>,
    %eq3A_101 = arith.constant 19 : i32
    %eq3A_102 = arith.cmpi eq, %arg0, %eq3A_101 : i32
    %convert_element_type3A_103 = arith.extui %eq3A_102 : i1 to i32
    %cond3A_104 = arith.constant 0 : i32
    %cond3A_105 = arith.cmpi ne, %convert_element_type3A_103, %cond3A_104 : i32
    scf.if %cond3A_105 {
      %get3A_106 = arith.constant 0 : index
      %get3A_107 = arith.constant 0 : index
      %get3A_108 = vector.load %arg13[%get3A_106, %get3A_107] : memref<256x1xf32, #tpu.memory_space<vmem>>, vector<256x1xf32>
      %get3A_109 = arith.constant 0 : index
      %get3A_110 = arith.constant 0 : index
      %get3A_111 = vector.load %arg14[%get3A_109, %get3A_110] : memref<256x1xf32, #tpu.memory_space<vmem>>, vector<256x1xf32>
      %max3A = arith.constant 1.000000e+00 : f32
      %max3A_112 = vector.broadcast %max3A : f32 to vector<256x1xf32>
      %max3A_113 = arith.maximumf %get3A_111, %max3A_112 : vector<256x1xf32>
      %div3A = arith.divf %get3A_108, %max3A_113 : vector<256x1xf32>
      %swap3A_114 = arith.constant 0 : index
      %swap3A_115 = arith.constant 0 : index
      %swap3A_116 = vector.load %arg15[%swap3A_114, %swap3A_115] : memref<256x1xf32, #tpu.memory_space<vmem>>, vector<256x1xf32>
      tpu.vector_store %arg15[%swap3A_114, %swap3A_115], %div3A {strides = array<i32>} : memref<256x1xf32, #tpu.memory_space<vmem>>, vector<256x1xf32>,
      %iota3A_117 = tpu.iota {dimensions = array<i32: 1>} : vector<4096x256xi32>
      %get3A_118 = arith.constant 0 : index
      %get3A_119 = arith.constant 0 : index
      %get3A_120 = vector.load %arg11[%get3A_118, %get3A_119] : memref<4096x1xi32, #tpu.memory_space<vmem>>, vector<4096x1xi32>
      %eq3A_121 = vector.broadcast %get3A_120 : vector<4096x1xi32> to vector<4096x256xi32>
      %eq3A_122 = arith.cmpi eq, %eq3A_121, %iota3A_117 : vector<4096x256xi32>
      %convert_element_type3A_123 = arith.extui %eq3A_122 : vector<4096x256xi1> to vector<4096x256xi32>
      %convert_element_type3A_124 = arith.sitofp %convert_element_type3A_123 : vector<4096x256xi32> to vector<4096x256xf32>
      %get3A_125 = arith.constant 0 : index
      %get3A_126 = arith.constant 0 : index
      %get3A_127 = vector.load %arg12[%get3A_125, %get3A_126] : memref<4096x1xi32, #tpu.memory_space<vmem>>, vector<4096x1xi32>
      %eq3A_128 = vector.broadcast %get3A_127 : vector<4096x1xi32> to vector<4096x256xi32>
      %eq3A_129 = arith.cmpi eq, %eq3A_128, %iota3A_117 : vector<4096x256xi32>
      %convert_element_type3A_130 = arith.extui %eq3A_129 : vector<4096x256xi1> to vector<4096x256xi32>
      %convert_element_type3A_131 = arith.sitofp %convert_element_type3A_130 : vector<4096x256xi32> to vector<4096x256xf32>
      %sub3A_132 = arith.subf %convert_element_type3A_131, %convert_element_type3A_124 : vector<4096x256xf32>
      %dot_general3A_133 = arith.constant dense<0.000000e+00> : vector<4096x1xf32>
      %dot_general3A_134 = tpu.matmul %sub3A_132, %div3A, %dot_general3A_133 {dimension_numbers = #tpu.dot_dimension_numbers<[1], [0], [0], [1], [0, 0, 1, 1], [], []>, transpose_lhs_hint = false} : vector<4096x256xf32>, vector<256x1xf32>, vector<4096x1xf32> -> vector<4096x1xf32>
      %logistic3A = arith.negf %dot_general3A_134 : vector<4096x1xf32>
      %logistic3A_135 = math.exp %logistic3A : vector<4096x1xf32>
      %logistic3A_136 = arith.constant 1.000000e+00 : f32
      %logistic3A_137 = vector.broadcast %logistic3A_136 : f32 to vector<4096x1xf32>
      %logistic3A_138 = arith.addf %logistic3A_137, %logistic3A_135 : vector<4096x1xf32>
      %logistic3A_139 = arith.divf %logistic3A_137, %logistic3A_138 : vector<4096x1xf32>
      %swap3A_140 = arith.constant 0 : index
      %swap3A_141 = arith.constant 0 : index
      %swap3A_142 = vector.load %arg16[%swap3A_140, %swap3A_141] : memref<4096x1xf32, #tpu.memory_space<vmem>>, vector<4096x1xf32>
      tpu.vector_store %arg16[%swap3A_140, %swap3A_141], %logistic3A_139 {strides = array<i32>} : memref<4096x1xf32, #tpu.memory_space<vmem>>, vector<4096x1xf32>,
    } else {
    }
    return
  }
  func.func @transform_0(%arg0: i32) -> (i32, i32, i32) {
    %c0_i32 = arith.constant 0 : i32
    %c0_i32_0 = arith.constant 0 : i32
    %c0_i32_1 = arith.constant 0 : i32
    return %c0_i32, %arg0, %c0_i32_0 : i32, i32, i32
  }
  func.func @transform_1(%arg0: i32) -> (i32, i32, i32) {
    %c0_i32 = arith.constant 0 : i32
    %c0_i32_0 = arith.constant 0 : i32
    %c0_i32_1 = arith.constant 0 : i32
    return %c0_i32, %arg0, %c0_i32_0 : i32, i32, i32
  }
  func.func @transform_2(%arg0: i32) -> (i32, i32) {
    %c0_i32 = arith.constant 0 : i32
    %c0_i32_0 = arith.constant 0 : i32
    %c0_i32_1 = arith.constant 0 : i32
    return %c0_i32, %c0_i32_0 : i32, i32
  }
  func.func @transform_3(%arg0: i32) -> (i32, i32) {
    %c0_i32 = arith.constant 0 : i32
    %c0_i32_0 = arith.constant 0 : i32
    %c0_i32_1 = arith.constant 0 : i32
    return %c0_i32, %c0_i32_0 : i32, i32
  }
  func.func @transform_4(%arg0: i32) -> (i32, i32) {
    %c0_i32 = arith.constant 0 : i32
    %c0_i32_0 = arith.constant 0 : i32
    %c0_i32_1 = arith.constant 0 : i32
    return %c0_i32, %c0_i32_0 : i32, i32
  }
  func.func @transform_5(%arg0: i32) -> (i32, i32) {
    %c0_i32 = arith.constant 0 : i32
    %c0_i32_0 = arith.constant 0 : i32
    %c0_i32_1 = arith.constant 0 : i32
    return %c0_i32, %c0_i32_0 : i32, i32
  }
  func.func @transform_6(%arg0: i32) -> (i32, i32) {
    %c0_i32 = arith.constant 0 : i32
    %c0_i32_0 = arith.constant 0 : i32
    %c0_i32_1 = arith.constant 0 : i32
    return %c0_i32, %c0_i32_0 : i32, i32
  }
  func.func @transform_7(%arg0: i32) -> (i32, i32) {
    %c0_i32 = arith.constant 0 : i32
    %c0_i32_0 = arith.constant 0 : i32
    %c0_i32_1 = arith.constant 0 : i32
    return %c0_i32, %c0_i32_0 : i32, i32
  }
  func.func @transform_8(%arg0: i32) -> (i32, i32) {
    %c0_i32 = arith.constant 0 : i32
    %c0_i32_0 = arith.constant 0 : i32
    %c0_i32_1 = arith.constant 0 : i32
    return %c0_i32, %c0_i32_0 : i32, i32
  }
  func.func @transform_9(%arg0: i32) -> (i32, i32) {
    %c0_i32 = arith.constant 0 : i32
    %c0_i32_0 = arith.constant 0 : i32
    return %arg0, %c0_i32 : i32, i32
  }
  func.func @transform_10(%arg0: i32) -> (i32, i32) {
    %c0_i32 = arith.constant 0 : i32
    %c0_i32_0 = arith.constant 0 : i32
    %c0_i32_1 = arith.constant 0 : i32
    return %c0_i32, %c0_i32_0 : i32, i32
  }
  func.func @transform_11(%arg0: i32) -> (i32, i32) {
    %c0_i32 = arith.constant 0 : i32
    %c0_i32_0 = arith.constant 0 : i32
    %c0_i32_1 = arith.constant 0 : i32
    return %c0_i32, %c0_i32_0 : i32, i32
  }
  func.func @transform_12(%arg0: i32) -> (i32, i32) {
    %c0_i32 = arith.constant 0 : i32
    %c0_i32_0 = arith.constant 0 : i32
    %c0_i32_1 = arith.constant 0 : i32
    return %c0_i32, %c0_i32_0 : i32, i32
  }
  func.func @transform_13(%arg0: i32) -> (i32, i32) {
    %c0_i32 = arith.constant 0 : i32
    %c0_i32_0 = arith.constant 0 : i32
    %c0_i32_1 = arith.constant 0 : i32
    return %c0_i32, %c0_i32_0 : i32, i32
  }
  func.func @transform_14(%arg0: i32) -> (i32, i32) {
    %c0_i32 = arith.constant 0 : i32
    %c0_i32_0 = arith.constant 0 : i32
    %c0_i32_1 = arith.constant 0 : i32
    return %c0_i32, %c0_i32_0 : i32, i32
  }
  func.func @transform_15(%arg0: i32) -> (i32, i32) {
    %c0_i32 = arith.constant 0 : i32
    %c0_i32_0 = arith.constant 0 : i32
    %c0_i32_1 = arith.constant 0 : i32
    return %c0_i32, %c0_i32_0 : i32, i32
  }
}

</mosaic_0001>

<sc_bundles>
// kernel: kernel.10.cloned.1.call-start
scs
__scs_entry_jumppad:
0x0: {  	(pc) =	sbr.rel $0x88, $3  }
0x1: {  	(tag) =	ssettag $0x0;
	lr =	simm.s32 $0x1  }
0x2: {  	[smem:$0x3F90] =	sst lr;
	_ =	strace $0xD0000000  }
0x3: {  	_ = 	snop  }
0x4: {  	_ = 	snop  }
0x5: {  	_ = 	snop  }
0x6: {  	_ = 	snop  }
0x7: {  	_ = 	snop  }
__scs_overlays_trampoline_lowered:
0x8: {  	[smem:$0x3F9F] =	sst s0  }
0x9: {  	[smem:$0x3FA0] =	sst s1  }
0xa: {  	[smem:$0x3FA1] =	sst s2  }
0xb: {  	[smem:$0x3FA2] =	sst s3  }
0xc: {  	[smem:$0x3FA3] =	sst s4  }
0xd: {  	[smem:$0x3FA4] =	sst s5  }
0xe: {  	[smem:$0x3FA5] =	sst s6  }
0xf: {  	[smem:$0x3FA6] =	sst s7  }
0x10: {  	[smem:$0x3FA7] =	sst s8  }
0x11: {  	[smem:$0x3FA8] =	sst s9;
	s0 =	simm.s32 @!p0 $0x0  }
0x12: {  	s1 =	sld [smem:$0x3F8E];
	s0 =	simm.s32 @p0 $0x1  }
0x13: {  	[smem:$0x3FA9] =	sst s0;
	s0 =	simm.s32 @!p1 $0x0  }
0x14: {  	s2 =	sld [smem:$0x3F8D];
	s0 =	simm.s32 @p1 $0x1  }
0x15: {  	[smem:$0x3FAA] =	sst s0;
	s0 =	simm.s32 @!p2 $0x0  }
0x16: {  	s3 =	sld [smem:$0x3FDB];
	s0 =	simm.s32 @p2 $0x1  }
0x17: {  	s4 =	simm.s32 $0x1BF5;
	[smem:$0x3FAC] =	sst s0  }
0x18: {  	s0 =	sld [smem:$0x3F8F];
	_ =	swait.ge [sflag:s4], $0x0  }
0x19: {  	s7 =	sld [smem:$0x3F90]  }
0x1a: {  	s8 =	sadd.s32 $0xFFFFE003, lr  }
0x1b: {  	s9 =	sadd.s32 $0xFFFFFEF7, lr;
	s5 =	simm.s32 $0xFFFFFFFF;
	p2 =	slt.u32 s8, $0xFFFFF086  }
0x1c: {  	p1 =	slt.u32 s9, $0xF7A;
	s5 =	simm.s32 @!p2 $0x0  }
0x1d: {  	s5 =	simm.s32 @p1 $0x1;
	p0 =	seq.s32 s7, s2  }
0x1e: {  	s7 =	smul.u32 @!p0 $0xF7A, s2;
	p2 =	seq.s32 @!p0 s5, $0x0  }
0x1f: {  	s9 =	smul.u32 $0xF7A, s1;
	s8 =	simm.s32 @!p0 $0x1BF5;
	p2 =	por !p2, p0  }
0x20: {  	[sflag:s8] =	ssyncset.s32 @!p0 $0xFFFFF086;
	s6 =	sadd.s32 @!p0 s3, s7;
	s7 =	simm.s32 @!p0 $0x108  }
0x21: {  	s3 =	sadd.s32 s3, s9;
	s6 =	sadd.s32 @!p0 $0x88, s6;
	s7 =	simm.s32 @p2 $0x1082  }
0x22: {  	[simem:s7], [sflag:s8] =	dma.local @!p0 [hbm:s6], $0xF7A  }
0x23: {  	s9 =	sor.u32 $0xD0000000, s2;
	s6 =	simm.s32 $0x108;
	_ =	swait.ge @!p0 [sflag:s8], $0x0  }
0x24: {  	s3 =	sadd.s32 $0x88, s3;
	s6 =	simm.s32 @!p1 $0x1082;
	[sflag:s4] =	ssyncset.s32 $0xFFFFF086  }
0x25: {  	[simem:s6], [sflag:s4] =	dma.local [hbm:s3], $0xF7A  }
0x26: {  	[smem:$0x3F90] =	sst s1;
	(tag) =	ssettag s2;
	_ =	strace s9  }
0x27: {  	s1 =	sld [smem:$0x3FA0]  }
0x28: {  	s2 =	sld [smem:$0x3FA1]  }
0x29: {  	s4 =	sld [smem:$0x3FA3]  }
0x2a: {  	p0 =	seq.s32 s5, $0x0;
	s5 =	sld [smem:$0x3FA4]  }
0x2b: {  	s6 =	sld [smem:$0x3FA5]  }
0x2c: {  	s7 =	sld [smem:$0x3FA6]  }
0x2d: {  	s3 =	simm.s32 $0x108;
	s8 =	sld [smem:$0x3FA7]  }
0x2e: {  	s3 =	simm.s32 @!p0 $0x1082;
	s9 =	sld [smem:$0x3FA8]  }
0x2f: {  	lr =	sadd.s32 s0, s3;
	s0 =	sld [smem:$0x3F9F]  }
0x30: {  	s3 =	sld [smem:$0x3FA2]  }
0x31: {  	[smem:$0x3FAB] =	sst s10  }
0x32: {  	s10 =	sld [smem:$0x3FA9];
	_ =	sdelay $0x3  }
0x33: {  	p0 =	seq.s32 s10, $0x1;
	s10 =	sld [smem:$0x3FAB];
	_ =	sdelay $0x3  }
0x34: {  	[smem:$0x3FAB] =	sst s10  }
0x35: {  	s10 =	sld [smem:$0x3FAA];
	_ =	sdelay $0x3  }
0x36: {  	p1 =	seq.s32 s10, $0x1;
	s10 =	sld [smem:$0x3FAB];
	_ =	sdelay $0x3  }
0x37: {  	[smem:$0x3FAB] =	sst s10  }
0x38: {  	s10 =	sld [smem:$0x3FAC]  }
0x39: {  	_ = 	snop;
	(pc) =	sbr.ind lr, $3  }
0x3a: {  	_ = 	snop  }
0x3b: {  	_ = 	snop  }
0x3c: {  	p2 =	seq.s32 s10, $0x1;
	s10 =	sld [smem:$0x3FAB]  }
0x3d: {  	_ =	shalt  }
0x3e: {  	_ =	shalt  }
0x3f: {  	_ =	shalt  }
0x40: {  	_ =	shalt  }
0x41: {  	_ =	shalt  }
0x42: {  	_ =	shalt  }
0x43: {  	_ =	shalt  }
0x44: {  	_ =	shalt  }
0x45: {  	_ =	shalt  }
0x46: {  	_ =	shalt  }
0x47: {  	_ =	shalt  }
0x48: {  	_ =	shalt  }
0x49: {  	_ =	shalt  }
0x4a: {  	_ =	shalt  }
0x4b: {  	_ =	shalt  }
0x4c: {  	_ =	shalt  }
0x4d: {  	_ =	shalt  }
0x4e: {  	_ =	shalt  }
0x4f: {  	_ =	shalt  }
0x50: {  	_ =	shalt  }
0x51: {  	_ =	shalt  }
0x52: {  	_ =	shalt  }
0x53: {  	_ =	shalt  }
0x54: {  	_ =	shalt  }
0x55: {  	_ =	shalt  }
0x56: {  	_ =	shalt  }
0x57: {  	_ =	shalt  }
0x58: {  	_ =	shalt  }
0x59: {  	_ =	shalt  }
0x5a: {  	_ =	shalt  }
0x5b: {  	_ =	shalt  }
0x5c: {  	_ =	shalt  }
0x5d: {  	_ =	shalt  }
0x5e: {  	_ =	shalt  }
0x5f: {  	_ =	shalt  }
0x60: {  	_ =	shalt  }
0x61: {  	_ =	shalt  }
0x62: {  	_ =	shalt  }
0x63: {  	_ =	shalt  }
0x64: {  	_ =	shalt  }
0x65: {  	_ =	shalt  }
0x66: {  	_ =	shalt  }
0x67: {  	_ =	shalt  }
0x68: {  	_ =	shalt  }
0x69: {  	_ =	shalt  }
0x6a: {  	_ =	shalt  }
0x6b: {  	_ =	shalt  }
0x6c: {  	_ =	shalt  }
0x6d: {  	_ =	shalt  }
0x6e: {  	_ =	shalt  }
0x6f: {  	_ =	shalt  }
0x70: {  	_ =	shalt  }
0x71: {  	_ =	shalt  }
0x72: {  	_ =	shalt  }
0x73: {  	_ =	shalt  }
0x74: {  	_ =	shalt  }
0x75: {  	_ =	shalt  }
0x76: {  	_ =	shalt  }
0x77: {  	_ =	shalt  }
0x78: {  	_ =	shalt  }
0x79: {  	_ =	shalt  }
0x7a: {  	_ =	shalt  }
0x7b: {  	_ =	shalt  }
0x7c: {  	_ =	shalt  }
0x7d: {  	_ =	shalt  }
0x7e: {  	_ =	shalt  }
0x7f: {  	_ =	shalt  }
0x80: {  	_ =	shalt  }
0x81: {  	_ =	shalt  }
0x82: {  	_ =	shalt  }
0x83: {  	_ =	shalt  }
0x84: {  	_ =	shalt  }
0x85: {  	_ =	shalt  }
0x86: {  	_ =	shalt  }
0x87: {  	_ =	shalt  }
.Lfunc_end0:
.L_simem_size_0:
called_computation_lowered:
.L_overlay_start_0:
0x88: {  	s2 =	sld [smem:$0x3FD9]  }
0x89: {  	s3 =	sld [smem:$0x3FFE];
	_ =	sdelay $0x1  }
0x8a: {  	s1 =	srdreg.scid  }
0x8b: {  	s0 =	sand.u32 $0x1, s1  }
0x8c: {  	s16 =	sshll.u32 s0, $0xA;
	s2 =	sadd.s32 s3, s2  }
0x8d: {  	s2 =	sadd.s32 s2, s16  }
0x8e: {  	[smem:$0x3FB7] =	sst s2  }
0x8f: {  	_ = 	snop  }
0x90: {  	(tm) =	ssettm $0x1  }
0x91: {  	s17 =	sld [smem:$0x3FFB];
	_ =	sdelay $0x3  }
0x92: {  	_ =	strace s17  }
0x93: {  	s2 =	sld [smem:$0x3FFC];
	_ =	sdelay $0x3  }
0x94: {  	_ =	strace s2  }
0x95: {  	s2 =	sld [smem:$0x3FFD];
	_ =	sdelay $0x3  }
0x96: {  	_ =	strace s2  }
0x97: {  	_ =	strace $0x8FFFFFFF  }
0x98: {  	s18 =	sld [smem:$0x3FDB];
	_ =	sdelay $0x1  }
0x99: {  	s19 =	simm.s32 $_scs_section_size  }
0x9a: {  	s4 =	simm.s32 $_size__tile_overlayer_lowered;
	s5 =	simm.s32 $_tile_overlayer_lowered  }
0x9b: {  	s22 =	simm.s32 $0x1BFF;
	s21 =	sshll.u32 s5, $0x1;
	s2 =	sadd.s32 s19, s18  }
0x9c: {  	s6 =	simm.s32 $0x0;
	s20 =	sshll.u32 s4, $0x1;
	s4 =	sadd.s32 s21, s2  }
0x9d: {  	[timem:s6], [sflag:s22] =	dma.local [hbm:s4], s20  }
0x9e: {  	_ =	swait.ge [sflag:s22], s20  }
0x9f: {  	s3 =	ssub.s32 $0x0, s20;
	[sflag:s22] =	ssyncset.done $0x0  }
0xa0: {  	[sflag:s22] =	ssyncadd.s32 s3;
	_ =	sdelay $0x1  }
0xa1: {  	s23 =	simm.s32 $0x1B8B  }
0xa2: {  	_ =	swait.ge [sflag:s23], $0x1  }
0xa3: {  	[sflag:s23] =	ssyncset.done $0x0  }
0xa4: {  	s25 =	simm.s32 $0x1B8E;
	s24 =	sld [smem:$0x3FFE];
	[sflag:s23] =	ssyncadd.s32 $0xFFFFFFFF  }
0xa5: {  	s26 =	simm.s32 $execute0_lowered;
	[smem:$0x3FD2] =	sst s25  }
0xa6: {  	s4 =	sshll.u32 s26, $0x1;
	_ =	strace $0x80000046;
	[dreg:$0x1] =	wrdreg $0xFFFFFFFF  }
0xa7: {  	s28 =	simm.s32 $_size_execute0_lowered;
	s2 =	sadd.s32 s2, s4;
	[dreg:$0x0] =	wrdreg $0x0  }
0xa8: {  	s4 =	sshll.u32 s28, $0x1;
	[dreg:$0x2] =	wrdreg s2  }
0xa9: {  	[dreg:$0x3] =	wrdreg s4  }
0xaa: {  	[dreg:$0x4] =	wrdreg $0xC0  }
0xab: {  	_ =	task [dreg:s6], $0x5FFFF  }
0xac: {  	[dreg:$0x1] =	wrdreg $0xFFFFFFFF  }
0xad: {  	[dreg:$0x0] =	wrdreg $0x60  }
0xae: {  	[dreg:$0x2] =	wrdreg s24  }
0xaf: {  	[dreg:$0x3] =	wrdreg $0x0  }
0xb0: {  	[dreg:$0x4] =	wrdreg $0x9  }
0xb1: {  	_ =	task.clear_ibuf [dreg:s6], $0x5FFFF;
	_ =	strace $0x90000046  }
0xb2: {  	s29 =	simm.s32 $0x9;
	_ =	strace $0x80000048  }
0xb3: {  	_ =	swait.ge [sflag:s29], $0x1  }
0xb4: {  	[sflag:s29] =	ssyncadd.s32 $0xFFFFFFFF  }
0xb5: {  	_ =	strace $0x90000048  }
0xb6: {  	_ =	sfence  }
0xb7: {  	s30 =	sld [smem:$0x0];
	_ =	sdelay $0x2  }
0xb8: {  	s31 =	sshll.u32 s1, $0xD;
	s1 =	sshrl.u32 s1, $0x2  }
0xb9: {  	s3 =	sand.u32 $0x4000, s31;
	s1 =	sadd.s32 s1, s30  }
0xba: {  	s0 =	sor.u32 s3, s0;
	s1 =	sshll.u32 s1, $0x11  }
0xbb: {  	s0 =	sor.u32 s1, s0  }
0xbc: {  	s0 =	sadd.s32 $0x8F2B, s0  }
0xbd: {  	[sflag:s0] =	ssyncadd.remote.s32 $0x1  }
0xbe: {  	_ =	sfence.sel $0xFFFF  }
0xbf: {  	[dreg:$0x0] =	wrdreg $0xFFFFFFFF;
	(pc) =	sbr.abs _section_cstart, $3  }
0xc0: {  	[dreg:$0x1] =	wrdreg $0xFFFFFFFF  }
0xc1: {  	_ =	task.clear_ibuf [dreg:s6], $0x2FFFF;
	_ =	strace $0x9FFFFFFF  }
0xc2: {  	(tm) =	ssettm $0x7FFFFFFF  }
0xc3: {  	_ =	shalt  }
tec
execute0_lowered:
.L_overlay_start_1:
0x0: {  	(tag) =	ssettag $0x1  }
0x1: {  	s5 =	rddreg [dreg:$0x0]  }
0x2: {  	s0 =	srdreg.scid;
	s2 =	rddreg [dreg:$0x1]  }
0x3: {  	s1 =	rddreg [dreg:$0x2];
	s4 =	sand.u32 $0x1, s0  }
0x4: {  	s3 =	simm.s32 $0x0;
	s0 =	stileid.u32;
	s6 =	smul.u32 $0x5000, s4  }
0x5: {  	s13 =	simm.s32 $0x5400;
	s14 =	simm.s32 $0x80;
	s7 =	smul.u32 $0x14000, s0  }
0x6: {  	s15 =	simm.s32 $0x0;
	[smem:$0x7FF] =	sst s3;
	s8 =	smul.u32 $0x140000, s4  }
0x7: {  	_ =	strace $0x80000047;
	s25 =	ssub.s32 $0x2, s4;
	s10 =	smul.u32 $0x50000, s0  }
0x8: {  	s4 =	sadd.s32 $0xDC00, s5;
	s29 =	smul.u32 $0x500, s0;
	s31 =	sshll.u32 s0, $0x6  }
0x9: {  	s26 =	sshrl.u32 s25, $0x1;
	s9 =	sadd.s32 s6, s5;
	s24 =	sadd.s32 s7, s8  }
0xa: {  	s8 =	ssub.s32 s25, s26;
	s28 =	sshrl.u32 s10, $0x2;
	s30 =	sshrl.u32 s7, $0x3  }
0xb: {  	s6 =	sshrl.u32 s24, $0x3;
	s12 =	sadd.s32 s28, s2;
	s9 =	sadd.s32 s29, s9  }
0xc: {  	s8 =	smax.u32 s8, $0x1;
	s11 =	sadd.s32 s6, s5;
	s5 =	sadd.s32 s4, s30  }
0xd: {  	s6 =	sor.u32 $0x1C01, s31;
	s9 =	sadd.s32 $0x3A00, s9;
	s10 =	sshrl.u32 s12, $0x3  }
0xe: {  	s12 =	simm.s32 $0x1400;
	s7 =	sadd.s32 $0x35C00, s11;
	s11 =	simm.s32 $0x1  }
.LBB2_1:
0xf: {  	[spmem:s10], [sflag:s6] =	dma.local [hbm:s5], $0x2800  }
0x10: {  	_ =	swait.ge [sflag:s11], $0x2800  }
0x11: {  	[sflag:s11] =	ssyncset.done $0x0  }
0x12: {  	[sflag:s11] =	ssyncadd.s32 $0xFFFFD800  }
0x13: {  	[tilespmem:s12], [sflag:$0x1] =	stream.linear.gather [hbm4b:s4+s3], $0x4000, $0x38;
	[tilespmem:$0x5480] =	vst v63  }
0x14: {  	_ =	swait.ge [sflag:s11], $0x4000  }
0x15: {  	[sflag:s11] =	ssyncset.done $0x0  }
0x16: {  	[sflag:s11] =	ssyncadd.s32 $0xFFFFC000  }
0x17: {  	s16 =	sadd.s32 $0x0, s9;
	[bflag:$0x0] =	sbarrier.arrive $0xFFFF  }
0x18: {  	[tilespmem:s13], [sflag:$0x1] =	stream.linear.gather [hbm4b:s16+s3], $0x80, $0x38;
	[tilespmem:$0x5480] =	vst v63  }
0x19: {  	_ =	swait.ge [sflag:s11], $0x80  }
0x1a: {  	[sflag:s11] =	ssyncset.done $0x0  }
0x1b: {  	[sflag:s11] =	ssyncadd.s32 $0xFFFFFF80  }
0x1c: {  	[spmem:s2] =	stream.indirect.scatter.add.f32 [tilespmem:s12], [sflag:$0x1], $0x8, s13, s14, $0xb8;
	[tilespmem:$0x5480] =	vst v63  }
0x1d: {  	_ =	swait.ge [sflag:s11], $0x400  }
0x1e: {  	s17 =	simm.s32 $0x20;
	s16 =	simm.s32 $0x10;
	[sflag:s11] =	ssyncset.done $0x0  }
.LBB2_2:
0x1f: {  	s18 =	sadd.s32 s16, s9  }
0x20: {  	[sflag:s11] =	ssyncadd.s32 $0xFFFFFC00;
	s16 =	smov.u32 s17;
	s19 =	sadd.s32 $0x10, s17  }
0x21: {  	[tilespmem:s13], [sflag:$0x1] =	stream.linear.gather [hbm4b:s18+s3], $0x80, $0x38;
	[tilespmem:$0x5480] =	vst v63  }
0x22: {  	p0 =	sne.s32 s17, $0x4F0;
	_ =	swait.ge [sflag:s11], $0x80  }
.Ltmp0:
0x23: {  	[sflag:s11] =	ssyncset.done $0x0;
	(pc) =	sbr.rel @p0 .LBB2_2-.Ltmp0, $4  }
0x24: {  	[sflag:s11] =	ssyncadd.s32 $0xFFFFFF80  }
0x25: {  	[spmem:s2] =	stream.indirect.scatter.add.f32 [tilespmem:s12], [sflag:$0x1], $0x8, s13, s14, $0xb8;
	[tilespmem:$0x5480] =	vst v63  }
0x26: {  	_ =	swait.ge [sflag:s11], $0x400  }
0x27: {  	s17 =	smov.u32 s19;
	[sflag:s11] =	ssyncset.done $0x0  }
0x28: {  	s16 =	sadd.s32 s16, s9;
	[sflag:s11] =	ssyncadd.s32 $0xFFFFFC00  }
0x29: {  	[tilespmem:s13], [sflag:$0x1] =	stream.linear.gather [hbm4b:s16+s3], $0x80, $0x38;
	[tilespmem:$0x5480] =	vst v63  }
0x2a: {  	_ =	swait.ge [sflag:s11], $0x80  }
0x2b: {  	[sflag:s11] =	ssyncset.done $0x0  }
0x2c: {  	[sflag:s11] =	ssyncadd.s32 $0xFFFFFF80  }
0x2d: {  	[spmem:s2] =	stream.indirect.scatter.add.f32 [tilespmem:s12], [sflag:$0x1], $0x8, s13, s14, $0xb8;
	[tilespmem:$0x5480] =	vst v63  }
0x2e: {  	_ =	swait.ge [sflag:s11], $0x400  }
0x2f: {  	s15 =	sadd.s32 $0x1, s15;
	[sflag:s11] =	ssyncset.done $0x0  }
0x30: {  	p0 =	sne.s32 s15, s8;
	[sflag:s11] =	ssyncadd.s32 $0xFFFFFC00  }
.Ltmp1:
0x31: {  	[bflag:$0x0] =	sbarrier.arrive $0xFFFF;
	(pc) =	sbr.rel @p0 .LBB2_1-.Ltmp1, $4  }
0x32: {  	[hbm:s7], [sflag:s6] =	dma.local [spmem:s10], $0x2800  }
0x33: {  	_ =	swait.ge [sflag:s11], $0x2800  }
0x34: {  	[sflag:s11] =	ssyncset.done $0x0  }
0x35: {  	[sflag:s11] =	ssyncadd.s32 $0xFFFFD800  }
0x36: {  	_ =	sfence.sel $0x180000  }
0x37: {  	[bflag:$0x0] =	sbarrier.arrive $0xFFFF  }
0x38: {  	p0 =	sne.s32 s0, $0x0;
	_ =	strace $0x90000047  }
0x39: {  	s0 =	sadd.s32 @!p0 $0x100000, s1;
	[bflag:$0x2] =	sbarrier.arrive $0xFFFF  }
0x3a: {  	[sflag:s0] =	ssyncadd.tile.s32 @!p0 $0x1;
	_ =	shalt  }
.Lfunc_end2:
_tile_overlayer_lowered:
.L_overlay_start_2:
0x3b: {  	(tag) =	ssettag $0x2  }
0x3c: {  	s0 =	rddreg [dreg:$0x0];
	s2 =	stileid.u32  }
0x3d: {  	s1 =	rddreg [dreg:$0x1];
	p0 =	sne.s32 s2, $0x0  }
0x3e: {  	s3 =	rddreg [dreg:$0x2];
	[bflag:$0x3] =	sbarrier.arrive $0xFFFF;
	s2 =	simm.s32 @!p0 $0x1C01  }
0x3f: {  	[timem:s3], [sflag:s2] =	dma.local @!p0 [hbm:s0], s1  }
0x40: {  	s0 =	simm.s32 @!p0 $0x1  }
0x41: {  	_ =	swait.ge @!p0 [sflag:s0], s1  }
0x42: {  	s1 =	ssub.s32 @!p0 $0x0, s1;
	[sflag:s0] =	ssyncset.done @!p0 $0x0  }
0x43: {  	[sflag:s0] =	ssyncadd.s32 @!p0 s1  }
0x44: {  	[bflag:$0x3] =	sbarrier.arrive $0xFFFF  }
0x45: {  	_ =	shalt  }

// kernel: kernel.13.cloned.1.call-start
scs
__scs_entry_jumppad:
0x0: {  	(pc) =	sbr.rel $0x88, $3  }
0x1: {  	(tag) =	ssettag $0x0;
	lr =	simm.s32 $0x1  }
0x2: {  	[smem:$0x3F90] =	sst lr;
	_ =	strace $0xD0000000  }
0x3: {  	_ = 	snop  }
0x4: {  	_ = 	snop  }
0x5: {  	_ = 	snop  }
0x6: {  	_ = 	snop  }
0x7: {  	_ = 	snop  }
__scs_overlays_trampoline_lowered:
0x8: {  	[smem:$0x3F9F] =	sst s0  }
0x9: {  	[smem:$0x3FA0] =	sst s1  }
0xa: {  	[smem:$0x3FA1] =	sst s2  }
0xb: {  	[smem:$0x3FA2] =	sst s3  }
0xc: {  	[smem:$0x3FA3] =	sst s4  }
0xd: {  	[smem:$0x3FA4] =	sst s5  }
0xe: {  	[smem:$0x3FA5] =	sst s6  }
0xf: {  	[smem:$0x3FA6] =	sst s7  }
0x10: {  	[smem:$0x3FA7] =	sst s8  }
0x11: {  	[smem:$0x3FA8] =	sst s9;
	s0 =	simm.s32 @!p0 $0x0  }
0x12: {  	s1 =	sld [smem:$0x3F8E];
	s0 =	simm.s32 @p0 $0x1  }
0x13: {  	[smem:$0x3FA9] =	sst s0;
	s0 =	simm.s32 @!p1 $0x0  }
0x14: {  	s2 =	sld [smem:$0x3F8D];
	s0 =	simm.s32 @p1 $0x1  }
0x15: {  	[smem:$0x3FAA] =	sst s0;
	s0 =	simm.s32 @!p2 $0x0  }
0x16: {  	s3 =	sld [smem:$0x3FDB];
	s0 =	simm.s32 @p2 $0x1  }
0x17: {  	s4 =	simm.s32 $0x1BF5;
	[smem:$0x3FAC] =	sst s0  }
0x18: {  	s0 =	sld [smem:$0x3F8F];
	_ =	swait.ge [sflag:s4], $0x0  }
0x19: {  	s7 =	sld [smem:$0x3F90]  }
0x1a: {  	s8 =	sadd.s32 $0xFFFFE003, lr  }
0x1b: {  	s9 =	sadd.s32 $0xFFFFFEF7, lr;
	s5 =	simm.s32 $0xFFFFFFFF;
	p2 =	slt.u32 s8, $0xFFFFF086  }
0x1c: {  	p1 =	slt.u32 s9, $0xF7A;
	s5 =	simm.s32 @!p2 $0x0  }
0x1d: {  	s5 =	simm.s32 @p1 $0x1;
	p0 =	seq.s32 s7, s2  }
0x1e: {  	s7 =	smul.u32 @!p0 $0xF7A, s2;
	p2 =	seq.s32 @!p0 s5, $0x0  }
0x1f: {  	s9 =	smul.u32 $0xF7A, s1;
	s8 =	simm.s32 @!p0 $0x1BF5;
	p2 =	por !p2, p0  }
0x20: {  	[sflag:s8] =	ssyncset.s32 @!p0 $0xFFFFF086;
	s6 =	sadd.s32 @!p0 s3, s7;
	s7 =	simm.s32 @!p0 $0x108  }
0x21: {  	s3 =	sadd.s32 s3, s9;
	s6 =	sadd.s32 @!p0 $0x88, s6;
	s7 =	simm.s32 @p2 $0x1082  }
0x22: {  	[simem:s7], [sflag:s8] =	dma.local @!p0 [hbm:s6], $0xF7A  }
0x23: {  	s9 =	sor.u32 $0xD0000000, s2;
	s6 =	simm.s32 $0x108;
	_ =	swait.ge @!p0 [sflag:s8], $0x0  }
0x24: {  	s3 =	sadd.s32 $0x88, s3;
	s6 =	simm.s32 @!p1 $0x1082;
	[sflag:s4] =	ssyncset.s32 $0xFFFFF086  }
0x25: {  	[simem:s6], [sflag:s4] =	dma.local [hbm:s3], $0xF7A  }
0x26: {  	[smem:$0x3F90] =	sst s1;
	(tag) =	ssettag s2;
	_ =	strace s9  }
0x27: {  	s1 =	sld [smem:$0x3FA0]  }
0x28: {  	s2 =	sld [smem:$0x3FA1]  }
0x29: {  	s4 =	sld [smem:$0x3FA3]  }
0x2a: {  	p0 =	seq.s32 s5, $0x0;
	s5 =	sld [smem:$0x3FA4]  }
0x2b: {  	s6 =	sld [smem:$0x3FA5]  }
0x2c: {  	s7 =	sld [smem:$0x3FA6]  }
0x2d: {  	s3 =	simm.s32 $0x108;
	s8 =	sld [smem:$0x3FA7]  }
0x2e: {  	s3 =	simm.s32 @!p0 $0x1082;
	s9 =	sld [smem:$0x3FA8]  }
0x2f: {  	lr =	sadd.s32 s0, s3;
	s0 =	sld [smem:$0x3F9F]  }
0x30: {  	s3 =	sld [smem:$0x3FA2]  }
0x31: {  	[smem:$0x3FAB] =	sst s10  }
0x32: {  	s10 =	sld [smem:$0x3FA9];
	_ =	sdelay $0x3  }
0x33: {  	p0 =	seq.s32 s10, $0x1;
	s10 =	sld [smem:$0x3FAB];
	_ =	sdelay $0x3  }
0x34: {  	[smem:$0x3FAB] =	sst s10  }
0x35: {  	s10 =	sld [smem:$0x3FAA];
	_ =	sdelay $0x3  }
0x36: {  	p1 =	seq.s32 s10, $0x1;
	s10 =	sld [smem:$0x3FAB];
	_ =	sdelay $0x3  }
0x37: {  	[smem:$0x3FAB] =	sst s10  }
0x38: {  	s10 =	sld [smem:$0x3FAC]  }
0x39: {  	_ = 	snop;
	(pc) =	sbr.ind lr, $3  }
0x3a: {  	_ = 	snop  }
0x3b: {  	_ = 	snop  }
0x3c: {  	p2 =	seq.s32 s10, $0x1;
	s10 =	sld [smem:$0x3FAB]  }
0x3d: {  	_ =	shalt  }
0x3e: {  	_ =	shalt  }
0x3f: {  	_ =	shalt  }
0x40: {  	_ =	shalt  }
0x41: {  	_ =	shalt  }
0x42: {  	_ =	shalt  }
0x43: {  	_ =	shalt  }
0x44: {  	_ =	shalt  }
0x45: {  	_ =	shalt  }
0x46: {  	_ =	shalt  }
0x47: {  	_ =	shalt  }
0x48: {  	_ =	shalt  }
0x49: {  	_ =	shalt  }
0x4a: {  	_ =	shalt  }
0x4b: {  	_ =	shalt  }
0x4c: {  	_ =	shalt  }
0x4d: {  	_ =	shalt  }
0x4e: {  	_ =	shalt  }
0x4f: {  	_ =	shalt  }
0x50: {  	_ =	shalt  }
0x51: {  	_ =	shalt  }
0x52: {  	_ =	shalt  }
0x53: {  	_ =	shalt  }
0x54: {  	_ =	shalt  }
0x55: {  	_ =	shalt  }
0x56: {  	_ =	shalt  }
0x57: {  	_ =	shalt  }
0x58: {  	_ =	shalt  }
0x59: {  	_ =	shalt  }
0x5a: {  	_ =	shalt  }
0x5b: {  	_ =	shalt  }
0x5c: {  	_ =	shalt  }
0x5d: {  	_ =	shalt  }
0x5e: {  	_ =	shalt  }
0x5f: {  	_ =	shalt  }
0x60: {  	_ =	shalt  }
0x61: {  	_ =	shalt  }
0x62: {  	_ =	shalt  }
0x63: {  	_ =	shalt  }
0x64: {  	_ =	shalt  }
0x65: {  	_ =	shalt  }
0x66: {  	_ =	shalt  }
0x67: {  	_ =	shalt  }
0x68: {  	_ =	shalt  }
0x69: {  	_ =	shalt  }
0x6a: {  	_ =	shalt  }
0x6b: {  	_ =	shalt  }
0x6c: {  	_ =	shalt  }
0x6d: {  	_ =	shalt  }
0x6e: {  	_ =	shalt  }
0x6f: {  	_ =	shalt  }
0x70: {  	_ =	shalt  }
0x71: {  	_ =	shalt  }
0x72: {  	_ =	shalt  }
0x73: {  	_ =	shalt  }
0x74: {  	_ =	shalt  }
0x75: {  	_ =	shalt  }
0x76: {  	_ =	shalt  }
0x77: {  	_ =	shalt  }
0x78: {  	_ =	shalt  }
0x79: {  	_ =	shalt  }
0x7a: {  	_ =	shalt  }
0x7b: {  	_ =	shalt  }
0x7c: {  	_ =	shalt  }
0x7d: {  	_ =	shalt  }
0x7e: {  	_ =	shalt  }
0x7f: {  	_ =	shalt  }
0x80: {  	_ =	shalt  }
0x81: {  	_ =	shalt  }
0x82: {  	_ =	shalt  }
0x83: {  	_ =	shalt  }
0x84: {  	_ =	shalt  }
0x85: {  	_ =	shalt  }
0x86: {  	_ =	shalt  }
0x87: {  	_ =	shalt  }
.Lfunc_end0:
.L_simem_size_0:
called_computation.1_lowered:
.L_overlay_start_0:
0x88: {  	s2 =	sld [smem:$0x3FD9]  }
0x89: {  	s3 =	sld [smem:$0x3FFE];
	_ =	sdelay $0x1  }
0x8a: {  	s1 =	srdreg.scid  }
0x8b: {  	s0 =	sand.u32 $0x1, s1  }
0x8c: {  	s16 =	sshll.u32 s0, $0xA;
	s2 =	sadd.s32 s3, s2  }
0x8d: {  	s2 =	sadd.s32 s2, s16  }
0x8e: {  	[smem:$0x3FB7] =	sst s2  }
0x8f: {  	_ = 	snop  }
0x90: {  	(tm) =	ssettm $0x1  }
0x91: {  	s17 =	sld [smem:$0x3FFB];
	_ =	sdelay $0x3  }
0x92: {  	_ =	strace s17  }
0x93: {  	s2 =	sld [smem:$0x3FFC];
	_ =	sdelay $0x3  }
0x94: {  	_ =	strace s2  }
0x95: {  	s2 =	sld [smem:$0x3FFD];
	_ =	sdelay $0x3  }
0x96: {  	_ =	strace s2  }
0x97: {  	_ =	strace $0x8FFFFFFF  }
0x98: {  	s18 =	sld [smem:$0x3FDB];
	_ =	sdelay $0x1  }
0x99: {  	s19 =	simm.s32 $_scs_section_size  }
0x9a: {  	s4 =	simm.s32 $_size__tile_overlayer_lowered;
	s5 =	simm.s32 $_tile_overlayer_lowered  }
0x9b: {  	s22 =	simm.s32 $0x1BFF;
	s21 =	sshll.u32 s5, $0x1;
	s2 =	sadd.s32 s19, s18  }
0x9c: {  	s6 =	simm.s32 $0x0;
	s20 =	sshll.u32 s4, $0x1;
	s4 =	sadd.s32 s21, s2  }
0x9d: {  	[timem:s6], [sflag:s22] =	dma.local [hbm:s4], s20  }
0x9e: {  	_ =	swait.ge [sflag:s22], s20  }
0x9f: {  	s3 =	ssub.s32 $0x0, s20;
	[sflag:s22] =	ssyncset.done $0x0  }
0xa0: {  	[sflag:s22] =	ssyncadd.s32 s3;
	_ =	sdelay $0x1  }
0xa1: {  	s23 =	simm.s32 $0x1B8B  }
0xa2: {  	_ =	swait.ge [sflag:s23], $0x1  }
0xa3: {  	[sflag:s23] =	ssyncset.done $0x0  }
0xa4: {  	s25 =	simm.s32 $0x1B8E;
	s24 =	sld [smem:$0x3FFE];
	[sflag:s23] =	ssyncadd.s32 $0xFFFFFFFF  }
0xa5: {  	s26 =	simm.s32 $execute0_lowered;
	[smem:$0x3FD2] =	sst s25  }
0xa6: {  	s4 =	sshll.u32 s26, $0x1;
	_ =	strace $0x80000049;
	[dreg:$0x1] =	wrdreg $0xFFFFFFFF  }
0xa7: {  	s28 =	simm.s32 $_size_execute0_lowered;
	s2 =	sadd.s32 s2, s4;
	[dreg:$0x0] =	wrdreg $0x0  }
0xa8: {  	s4 =	sshll.u32 s28, $0x1;
	[dreg:$0x2] =	wrdreg s2  }
0xa9: {  	[dreg:$0x3] =	wrdreg s4  }
0xaa: {  	[dreg:$0x4] =	wrdreg $0xC0  }
0xab: {  	_ =	task [dreg:s6], $0x5FFFF  }
0xac: {  	[dreg:$0x1] =	wrdreg $0xFFFFFFFF  }
0xad: {  	[dreg:$0x0] =	wrdreg $0x60  }
0xae: {  	[dreg:$0x2] =	wrdreg s24  }
0xaf: {  	[dreg:$0x3] =	wrdreg $0x0  }
0xb0: {  	[dreg:$0x4] =	wrdreg $0xA0000  }
0xb1: {  	[dreg:$0x5] =	wrdreg $0x9  }
0xb2: {  	_ =	task.clear_ibuf [dreg:s6], $0x6FFFF;
	_ =	strace $0x90000049  }
0xb3: {  	s29 =	simm.s32 $0x9;
	_ =	strace $0x8000004B  }
0xb4: {  	_ =	swait.ge [sflag:s29], $0x1  }
0xb5: {  	[sflag:s29] =	ssyncadd.s32 $0xFFFFFFFF  }
0xb6: {  	_ =	strace $0x9000004B  }
0xb7: {  	_ =	sfence  }
0xb8: {  	s30 =	sld [smem:$0x0];
	_ =	sdelay $0x2  }
0xb9: {  	s31 =	sshll.u32 s1, $0xD;
	s1 =	sshrl.u32 s1, $0x2  }
0xba: {  	s3 =	sand.u32 $0x4000, s31;
	s1 =	sadd.s32 s1, s30  }
0xbb: {  	s0 =	sor.u32 s3, s0;
	s1 =	sshll.u32 s1, $0x11  }
0xbc: {  	s0 =	sor.u32 s1, s0  }
0xbd: {  	s0 =	sadd.s32 $0x8F2B, s0  }
0xbe: {  	[sflag:s0] =	ssyncadd.remote.s32 $0x1  }
0xbf: {  	_ =	sfence.sel $0xFFFF  }
0xc0: {  	[dreg:$0x0] =	wrdreg $0xFFFFFFFF;
	(pc) =	sbr.abs _section_cstart, $3  }
0xc1: {  	[dreg:$0x1] =	wrdreg $0xFFFFFFFF  }
0xc2: {  	_ =	task.clear_ibuf [dreg:s6], $0x2FFFF;
	_ =	strace $0x9FFFFFFF  }
0xc3: {  	(tm) =	ssettm $0x7FFFFFFF  }
tec
execute0_lowered:
.L_overlay_start_1:
0x0: {  	(tag) =	ssettag $0x1  }
0x1: {  	s5 =	rddreg [dreg:$0x0]  }
0x2: {  	s2 =	rddreg [dreg:$0x1];
	s0 =	srdreg.scid  }
0x3: {  	s3 =	rddreg [dreg:$0x2];
	s1 =	stileid.u32  }
0x4: {  	s4 =	simm.s32 $0x0;
	s17 =	simm.s32 $0x14080;
	s18 =	simm.s32 $0x80  }
0x5: {  	s19 =	simm.s32 $0x14200;
	s20 =	simm.s32 $0x1;
	s21 =	simm.s32 $0x14100  }
0x6: {  	s22 =	simm.s32 $0x14180;
	s23 =	simm.s32 $0x18200;
	s24 =	simm.s32 $0x2  }
0x7: {  	s6 =	sand.u32 $0x1, s0;
	s0 =	rddreg [dreg:$0x3];
	s8 =	smul.u32 $0x14000, s1  }
0x8: {  	s25 =	simm.s32 $0x0;
	[smem:$0x7FF] =	sst s4;
	s30 =	smul.u32 $0x5000, s1  }
0x9: {  	s11 =	sadd.s32 $0x85C00, s5;
	s12 =	sadd.s32 $0x3A00, s5;
	s16 =	smul.u32 $0xA00, s1  }
0xa: {  	s31 =	sshll.u32 s1, $0x6;
	s7 =	smul.u32 $0x140000, s6;
	s6 =	ssub.s32 $0x2, s6  }
0xb: {  	_ =	strace $0x8000004A;
	s29 =	sshrl.u32 s6, $0x1;
	s13 =	sadd.s32 s8, s2  }
0xc: {  	s14 =	sshrl.u32 s30, $0x3;
	s15 =	sadd.s32 s8, s3;
	s7 =	sadd.s32 s8, s7  }
0xd: {  	s10 =	ssub.s32 s6, s29;
	s6 =	sor.u32 $0x1C03, s31;
	s8 =	sadd.s32 s12, s14  }
0xe: {  	s12 =	sadd.s32 s16, s12;
	s13 =	sshrl.u32 s13, $0x3;
	s7 =	sshrl.u32 s7, $0x3  }
0xf: {  	s15 =	sshrl.u32 s15, $0x3;
	s10 =	smax.u32 s10, $0x1;
	s9 =	sadd.s32 s7, s5  }
0x10: {  	s7 =	sadd.s32 s11, s14;
	s11 =	sadd.s32 s16, s11;
	s14 =	simm.s32 $0x3  }
0x11: {  	s16 =	simm.s32 $0x14000;
	s5 =	sadd.s32 $0x8FE00, s9;
	s9 =	sadd.s32 $0xDFE00, s9  }
.LBB2_1:
0x12: {  	[spmem:s13], [sflag:s6] =	dma.local [hbm:s5], $0x2800  }
0x13: {  	_ =	swait.ge [sflag:s14], $0x2800  }
0x14: {  	[sflag:s14] =	ssyncset.done $0x0  }
0x15: {  	[sflag:s14] =	ssyncadd.s32 $0xFFFFD800  }
0x16: {  	[spmem:s15], [sflag:s6] =	dma.local [hbm:s5], $0x2800  }
0x17: {  	_ =	swait.ge [sflag:s14], $0x2800  }
0x18: {  	[sflag:s14] =	ssyncset.done $0x0  }
0x19: {  	[sflag:s14] =	ssyncadd.s32 $0xFFFFD800  }
0x1a: {  	[bflag:$0x0] =	sbarrier.arrive $0xFFFF  }
0x1b: {  	[tilespmem:s16], [sflag:$0x3] =	stream.linear.gather [hbm4b:s7+s4], $0x80, $0x38;
	[tilespmem:$0x1C200] =	vst v63  }
0x1c: {  	_ =	swait.ge [sflag:s14], $0x80  }
0x1d: {  	[sflag:s14] =	ssyncset.done $0x0  }
0x1e: {  	[sflag:s14] =	ssyncadd.s32 $0xFFFFFF80  }
0x1f: {  	[tilespmem:s17], [sflag:$0x3] =	stream.linear.gather [hbm4b:s8+s4], $0x80, $0x38;
	[tilespmem:$0x1C200] =	vst v63  }
0x20: {  	_ =	swait.ge [sflag:s14], $0x80  }
0x21: {  	[sflag:s14] =	ssyncset.done $0x0  }
0x22: {  	[sflag:s14] =	ssyncadd.s32 $0xFFFFFF80  }
0x23: {  	[tilespmem:s19], [sflag:$0x1] =	stream.indirect.gather [spmem:s2], $0x40, s16, s18, $0xb8;
	[tilespmem:$0x1C200] =	vst v63  }
0x24: {  	_ =	swait.ge [sflag:s20], $0x2000  }
0x25: {  	[sflag:s20] =	ssyncset.done $0x0  }
0x26: {  	s26 =	sadd.s32 $0xFFFFF600, s11;
	[sflag:s20] =	ssyncadd.s32 $0xFFFFE000  }
0x27: {  	[spmem:s3] =	stream.indirect.scatter.add.f32 [tilespmem:s19], [sflag:$0x2], $0x40, s17, s18, $0xb8;
	[tilespmem:$0x1C200] =	vst v63  }
0x28: {  	s28 =	sadd.s32 $0xA10, s26  }
0x29: {  	[tilespmem:s21], [sflag:$0x3] =	stream.linear.gather [hbm4b:s28+s4], $0x80, $0x38;
	[tilespmem:$0x1C200] =	vst v63  }
0x2a: {  	_ =	swait.ge [sflag:s14], $0x80  }
0x2b: {  	s28 =	sadd.s32 $0xFFFFF600, s12;
	[sflag:s14] =	ssyncset.done $0x0  }
0x2c: {  	s29 =	sadd.s32 $0xA10, s28;
	[sflag:s14] =	ssyncadd.s32 $0xFFFFFF80  }
0x2d: {  	[tilespmem:s22], [sflag:$0x3] =	stream.linear.gather [hbm4b:s29+s4], $0x80, $0x38;
	[tilespmem:$0x1C200] =	vst v63  }
0x2e: {  	_ =	swait.ge [sflag:s14], $0x80  }
0x2f: {  	[sflag:s14] =	ssyncset.done $0x0  }
0x30: {  	[sflag:s14] =	ssyncadd.s32 $0xFFFFFF80  }
0x31: {  	[tilespmem:s23], [sflag:$0x1] =	stream.indirect.gather [spmem:s2], $0x40, s21, s18, $0xb8;
	[tilespmem:$0x1C200] =	vst v63  }
0x32: {  	_ =	swait.ge [sflag:s20], $0x2000  }
0x33: {  	[sflag:s20] =	ssyncset.done $0x0  }
0x34: {  	[sflag:s20] =	ssyncadd.s32 $0xFFFFE000  }
0x35: {  	_ =	swait.ge [sflag:s24], $0x2000  }
0x36: {  	[sflag:s24] =	ssyncset.done $0x0  }
0x37: {  	[sflag:s24] =	ssyncadd.s32 $0xFFFFE000  }
0x38: {  	[spmem:s3] =	stream.indirect.scatter.add.f32 [tilespmem:s23], [sflag:$0x2], $0x40, s22, s18, $0xb8;
	[tilespmem:$0x1C200] =	vst v63  }
0x39: {  	s26 =	sadd.s32 $0xA20, s26  }
0x3a: {  	[tilespmem:s16], [sflag:$0x3] =	stream.linear.gather [hbm4b:s26+s4], $0x80, $0x38;
	[tilespmem:$0x1C200] =	vst v63  }
0x3b: {  	_ =	swait.ge [sflag:s14], $0x80  }
0x3c: {  	[sflag:s14] =	ssyncset.done $0x0  }
0x3d: {  	s31 =	sadd.s32 $0xA20, s28;
	[sflag:s14] =	ssyncadd.s32 $0xFFFFFF80  }
0x3e: {  	[tilespmem:s17], [sflag:$0x3] =	stream.linear.gather [hbm4b:s31+s4], $0x80, $0x38;
	[tilespmem:$0x1C200] =	vst v63  }
0x3f: {  	_ =	swait.ge [sflag:s14], $0x80  }
0x40: {  	[sflag:s14] =	ssyncset.done $0x0  }
0x41: {  	[sflag:s14] =	ssyncadd.s32 $0xFFFFFF80  }
0x42: {  	[tilespmem:s19], [sflag:$0x1] =	stream.indirect.gather [spmem:s2], $0x40, s16, s18, $0xb8;
	[tilespmem:$0x1C200] =	vst v63  }
0x43: {  	_ =	swait.ge [sflag:s20], $0x2000  }
0x44: {  	[sflag:s20] =	ssyncset.done $0x0  }
0x45: {  	[sflag:s20] =	ssyncadd.s32 $0xFFFFE000  }
0x46: {  	_ =	swait.ge [sflag:s24], $0x2000  }
0x47: {  	s28 =	simm.s32 $0xFFFFF620;
	[sflag:s24] =	ssyncset.done $0x0  }
.LBB2_2:
0x48: {  	s29 =	sadd.s32 s28, s11  }
0x49: {  	[sflag:s24] =	ssyncadd.s32 $0xFFFFE000;
	s30 =	smov.u32 s28;
	s26 =	sadd.s32 $0x20, s28  }
0x4a: {  	[spmem:s3] =	stream.indirect.scatter.add.f32 [tilespmem:s19], [sflag:$0x2], $0x40, s17, s18, $0xb8;
	[tilespmem:$0x1C200] =	vst v63  }
0x4b: {  	p0 =	sne.s32 s28, $0xFFFFFFE0;
	s31 =	sadd.s32 $0xA10, s29  }
0x4c: {  	[tilespmem:s21], [sflag:$0x3] =	stream.linear.gather [hbm4b:s31+s4], $0x80, $0x38;
	[tilespmem:$0x1C200] =	vst v63  }
0x4d: {  	_ =	swait.ge [sflag:s14], $0x80  }
0x4e: {  	s28 =	sadd.s32 s30, s12;
	[sflag:s14] =	ssyncset.done $0x0  }
0x4f: {  	s30 =	sadd.s32 $0xA10, s28;
	[sflag:s14] =	ssyncadd.s32 $0xFFFFFF80  }
0x50: {  	[tilespmem:s22], [sflag:$0x3] =	stream.linear.gather [hbm4b:s30+s4], $0x80, $0x38;
	[tilespmem:$0x1C200] =	vst v63  }
0x51: {  	_ =	swait.ge [sflag:s14], $0x80  }
0x52: {  	[sflag:s14] =	ssyncset.done $0x0  }
0x53: {  	[sflag:s14] =	ssyncadd.s32 $0xFFFFFF80  }
0x54: {  	[tilespmem:s23], [sflag:$0x1] =	stream.indirect.gather [spmem:s2], $0x40, s21, s18, $0xb8;
	[tilespmem:$0x1C200] =	vst v63  }
0x55: {  	_ =	swait.ge [sflag:s20], $0x2000  }
0x56: {  	[sflag:s20] =	ssyncset.done $0x0  }
0x57: {  	[sflag:s20] =	ssyncadd.s32 $0xFFFFE000  }
0x58: {  	_ =	swait.ge [sflag:s24], $0x2000  }
0x59: {  	[sflag:s24] =	ssyncset.done $0x0  }
0x5a: {  	[sflag:s24] =	ssyncadd.s32 $0xFFFFE000  }
0x5b: {  	[spmem:s3] =	stream.indirect.scatter.add.f32 [tilespmem:s23], [sflag:$0x2], $0x40, s22, s18, $0xb8;
	[tilespmem:$0x1C200] =	vst v63  }
0x5c: {  	s29 =	sadd.s32 $0xA20, s29  }
0x5d: {  	[tilespmem:s16], [sflag:$0x3] =	stream.linear.gather [hbm4b:s29+s4], $0x80, $0x38;
	[tilespmem:$0x1C200] =	vst v63  }
0x5e: {  	_ =	swait.ge [sflag:s14], $0x80  }
0x5f: {  	[sflag:s14] =	ssyncset.done $0x0  }
0x60: {  	s28 =	sadd.s32 $0xA20, s28;
	[sflag:s14] =	ssyncadd.s32 $0xFFFFFF80  }
0x61: {  	[tilespmem:s17], [sflag:$0x3] =	stream.linear.gather [hbm4b:s28+s4], $0x80, $0x38;
	[tilespmem:$0x1C200] =	vst v63  }
0x62: {  	_ =	swait.ge [sflag:s14], $0x80  }
0x63: {  	[sflag:s14] =	ssyncset.done $0x0  }
0x64: {  	[sflag:s14] =	ssyncadd.s32 $0xFFFFFF80  }
0x65: {  	[tilespmem:s19], [sflag:$0x1] =	stream.indirect.gather [spmem:s2], $0x40, s16, s18, $0xb8;
	[tilespmem:$0x1C200] =	vst v63  }
.Ltmp0:
0x66: {  	_ =	swait.ge [sflag:s20], $0x2000;
	(pc) =	sbr.rel @p0 .LBB2_2-.Ltmp0, $4  }
0x67: {  	[sflag:s20] =	ssyncset.done $0x0  }
0x68: {  	[sflag:s20] =	ssyncadd.s32 $0xFFFFE000  }
0x69: {  	_ =	swait.ge [sflag:s24], $0x2000  }
0x6a: {  	s28 =	smov.u32 s26;
	[sflag:s24] =	ssyncset.done $0x0  }
0x6b: {  	s25 =	sadd.s32 $0x1, s25  }
0x6c: {  	[sflag:s24] =	ssyncadd.s32 $0xFFFFE000;
	p0 =	sne.s32 s25, s10  }
.Ltmp1:
0x6d: {  	[bflag:$0x0] =	sbarrier.arrive $0xFFFF;
	(pc) =	sbr.rel @p0 .LBB2_1-.Ltmp1, $4  }
0x6e: {  	[hbm:s9], [sflag:s6] =	dma.local [spmem:s15], $0x2800  }
0x6f: {  	_ =	swait.ge [sflag:s14], $0x2800  }
0x70: {  	[sflag:s14] =	ssyncset.done $0x0  }
0x71: {  	[sflag:s14] =	ssyncadd.s32 $0xFFFFD800  }
0x72: {  	_ =	sfence.sel $0x180000  }
0x73: {  	[bflag:$0x0] =	sbarrier.arrive $0xFFFF  }
0x74: {  	p0 =	sne.s32 s1, $0x0;
	_ =	strace $0x9000004A  }
0x75: {  	s0 =	sadd.s32 @!p0 $0x100000, s0;
	[bflag:$0x2] =	sbarrier.arrive $0xFFFF  }
0x76: {  	[sflag:s0] =	ssyncadd.tile.s32 @!p0 $0x1;
	_ =	shalt  }
.Lfunc_end2:
_tile_overlayer_lowered:
.L_overlay_start_2:
0x77: {  	(tag) =	ssettag $0x2  }
0x78: {  	s0 =	rddreg [dreg:$0x0];
	s2 =	stileid.u32  }
0x79: {  	s1 =	rddreg [dreg:$0x1];
	p0 =	sne.s32 s2, $0x0  }
0x7a: {  	s3 =	rddreg [dreg:$0x2];
	[bflag:$0x3] =	sbarrier.arrive $0xFFFF;
	s2 =	simm.s32 @!p0 $0x1C03  }
0x7b: {  	[timem:s3], [sflag:s2] =	dma.local @!p0 [hbm:s0], s1  }
0x7c: {  	s0 =	simm.s32 @!p0 $0x3  }
0x7d: {  	_ =	swait.ge @!p0 [sflag:s0], s1  }
0x7e: {  	s1 =	ssub.s32 @!p0 $0x0, s1;
	[sflag:s0] =	ssyncset.done @!p0 $0x0  }
0x7f: {  	[sflag:s0] =	ssyncadd.s32 @!p0 s1  }
0x80: {  	[bflag:$0x3] =	sbarrier.arrive $0xFFFF  }
0x81: {  	_ =	shalt  }

// kernel: kernel.16.cloned.1.call-start
scs
__scs_entry_jumppad:
0x0: {  	(pc) =	sbr.rel $0x88, $3  }
0x1: {  	(tag) =	ssettag $0x0;
	lr =	simm.s32 $0x1  }
0x2: {  	[smem:$0x3F90] =	sst lr;
	_ =	strace $0xD0000000  }
0x3: {  	_ = 	snop  }
0x4: {  	_ = 	snop  }
0x5: {  	_ = 	snop  }
0x6: {  	_ = 	snop  }
0x7: {  	_ = 	snop  }
__scs_overlays_trampoline_lowered:
0x8: {  	[smem:$0x3F9F] =	sst s0  }
0x9: {  	[smem:$0x3FA0] =	sst s1  }
0xa: {  	[smem:$0x3FA1] =	sst s2  }
0xb: {  	[smem:$0x3FA2] =	sst s3  }
0xc: {  	[smem:$0x3FA3] =	sst s4  }
0xd: {  	[smem:$0x3FA4] =	sst s5  }
0xe: {  	[smem:$0x3FA5] =	sst s6  }
0xf: {  	[smem:$0x3FA6] =	sst s7  }
0x10: {  	[smem:$0x3FA7] =	sst s8  }
0x11: {  	[smem:$0x3FA8] =	sst s9;
	s0 =	simm.s32 @!p0 $0x0  }
0x12: {  	s1 =	sld [smem:$0x3F8E];
	s0 =	simm.s32 @p0 $0x1  }
0x13: {  	[smem:$0x3FA9] =	sst s0;
	s0 =	simm.s32 @!p1 $0x0  }
0x14: {  	s2 =	sld [smem:$0x3F8D];
	s0 =	simm.s32 @p1 $0x1  }
0x15: {  	[smem:$0x3FAA] =	sst s0;
	s0 =	simm.s32 @!p2 $0x0  }
0x16: {  	s3 =	sld [smem:$0x3FDB];
	s0 =	simm.s32 @p2 $0x1  }
0x17: {  	s4 =	simm.s32 $0x1BF5;
	[smem:$0x3FAC] =	sst s0  }
0x18: {  	s0 =	sld [smem:$0x3F8F];
	_ =	swait.ge [sflag:s4], $0x0  }
0x19: {  	s7 =	sld [smem:$0x3F90]  }
0x1a: {  	s8 =	sadd.s32 $0xFFFFE003, lr  }
0x1b: {  	s9 =	sadd.s32 $0xFFFFFEF7, lr;
	s5 =	simm.s32 $0xFFFFFFFF;
	p2 =	slt.u32 s8, $0xFFFFF086  }
0x1c: {  	p1 =	slt.u32 s9, $0xF7A;
	s5 =	simm.s32 @!p2 $0x0  }
0x1d: {  	s5 =	simm.s32 @p1 $0x1;
	p0 =	seq.s32 s7, s2  }
0x1e: {  	s7 =	smul.u32 @!p0 $0xF7A, s2;
	p2 =	seq.s32 @!p0 s5, $0x0  }
0x1f: {  	s9 =	smul.u32 $0xF7A, s1;
	s8 =	simm.s32 @!p0 $0x1BF5;
	p2 =	por !p2, p0  }
0x20: {  	[sflag:s8] =	ssyncset.s32 @!p0 $0xFFFFF086;
	s6 =	sadd.s32 @!p0 s3, s7;
	s7 =	simm.s32 @!p0 $0x108  }
0x21: {  	s3 =	sadd.s32 s3, s9;
	s6 =	sadd.s32 @!p0 $0x88, s6;
	s7 =	simm.s32 @p2 $0x1082  }
0x22: {  	[simem:s7], [sflag:s8] =	dma.local @!p0 [hbm:s6], $0xF7A  }
0x23: {  	s9 =	sor.u32 $0xD0000000, s2;
	s6 =	simm.s32 $0x108;
	_ =	swait.ge @!p0 [sflag:s8], $0x0  }
0x24: {  	s3 =	sadd.s32 $0x88, s3;
	s6 =	simm.s32 @!p1 $0x1082;
	[sflag:s4] =	ssyncset.s32 $0xFFFFF086  }
0x25: {  	[simem:s6], [sflag:s4] =	dma.local [hbm:s3], $0xF7A  }
0x26: {  	[smem:$0x3F90] =	sst s1;
	(tag) =	ssettag s2;
	_ =	strace s9  }
0x27: {  	s1 =	sld [smem:$0x3FA0]  }
0x28: {  	s2 =	sld [smem:$0x3FA1]  }
0x29: {  	s4 =	sld [smem:$0x3FA3]  }
0x2a: {  	p0 =	seq.s32 s5, $0x0;
	s5 =	sld [smem:$0x3FA4]  }
0x2b: {  	s6 =	sld [smem:$0x3FA5]  }
0x2c: {  	s7 =	sld [smem:$0x3FA6]  }
0x2d: {  	s3 =	simm.s32 $0x108;
	s8 =	sld [smem:$0x3FA7]  }
0x2e: {  	s3 =	simm.s32 @!p0 $0x1082;
	s9 =	sld [smem:$0x3FA8]  }
0x2f: {  	lr =	sadd.s32 s0, s3;
	s0 =	sld [smem:$0x3F9F]  }
0x30: {  	s3 =	sld [smem:$0x3FA2]  }
0x31: {  	[smem:$0x3FAB] =	sst s10  }
0x32: {  	s10 =	sld [smem:$0x3FA9];
	_ =	sdelay $0x3  }
0x33: {  	p0 =	seq.s32 s10, $0x1;
	s10 =	sld [smem:$0x3FAB];
	_ =	sdelay $0x3  }
0x34: {  	[smem:$0x3FAB] =	sst s10  }
0x35: {  	s10 =	sld [smem:$0x3FAA];
	_ =	sdelay $0x3  }
0x36: {  	p1 =	seq.s32 s10, $0x1;
	s10 =	sld [smem:$0x3FAB];
	_ =	sdelay $0x3  }
0x37: {  	[smem:$0x3FAB] =	sst s10  }
0x38: {  	s10 =	sld [smem:$0x3FAC]  }
0x39: {  	_ = 	snop;
	(pc) =	sbr.ind lr, $3  }
0x3a: {  	_ = 	snop  }
0x3b: {  	_ = 	snop  }
0x3c: {  	p2 =	seq.s32 s10, $0x1;
	s10 =	sld [smem:$0x3FAB]  }
0x3d: {  	_ =	shalt  }
0x3e: {  	_ =	shalt  }
0x3f: {  	_ =	shalt  }
0x40: {  	_ =	shalt  }
0x41: {  	_ =	shalt  }
0x42: {  	_ =	shalt  }
0x43: {  	_ =	shalt  }
0x44: {  	_ =	shalt  }
0x45: {  	_ =	shalt  }
0x46: {  	_ =	shalt  }
0x47: {  	_ =	shalt  }
0x48: {  	_ =	shalt  }
0x49: {  	_ =	shalt  }
0x4a: {  	_ =	shalt  }
0x4b: {  	_ =	shalt  }
0x4c: {  	_ =	shalt  }
0x4d: {  	_ =	shalt  }
0x4e: {  	_ =	shalt  }
0x4f: {  	_ =	shalt  }
0x50: {  	_ =	shalt  }
0x51: {  	_ =	shalt  }
0x52: {  	_ =	shalt  }
0x53: {  	_ =	shalt  }
0x54: {  	_ =	shalt  }
0x55: {  	_ =	shalt  }
0x56: {  	_ =	shalt  }
0x57: {  	_ =	shalt  }
0x58: {  	_ =	shalt  }
0x59: {  	_ =	shalt  }
0x5a: {  	_ =	shalt  }
0x5b: {  	_ =	shalt  }
0x5c: {  	_ =	shalt  }
0x5d: {  	_ =	shalt  }
0x5e: {  	_ =	shalt  }
0x5f: {  	_ =	shalt  }
0x60: {  	_ =	shalt  }
0x61: {  	_ =	shalt  }
0x62: {  	_ =	shalt  }
0x63: {  	_ =	shalt  }
0x64: {  	_ =	shalt  }
0x65: {  	_ =	shalt  }
0x66: {  	_ =	shalt  }
0x67: {  	_ =	shalt  }
0x68: {  	_ =	shalt  }
0x69: {  	_ =	shalt  }
0x6a: {  	_ =	shalt  }
0x6b: {  	_ =	shalt  }
0x6c: {  	_ =	shalt  }
0x6d: {  	_ =	shalt  }
0x6e: {  	_ =	shalt  }
0x6f: {  	_ =	shalt  }
0x70: {  	_ =	shalt  }
0x71: {  	_ =	shalt  }
0x72: {  	_ =	shalt  }
0x73: {  	_ =	shalt  }
0x74: {  	_ =	shalt  }
0x75: {  	_ =	shalt  }
0x76: {  	_ =	shalt  }
0x77: {  	_ =	shalt  }
0x78: {  	_ =	shalt  }
0x79: {  	_ =	shalt  }
0x7a: {  	_ =	shalt  }
0x7b: {  	_ =	shalt  }
0x7c: {  	_ =	shalt  }
0x7d: {  	_ =	shalt  }
0x7e: {  	_ =	shalt  }
0x7f: {  	_ =	shalt  }
0x80: {  	_ =	shalt  }
0x81: {  	_ =	shalt  }
0x82: {  	_ =	shalt  }
0x83: {  	_ =	shalt  }
0x84: {  	_ =	shalt  }
0x85: {  	_ =	shalt  }
0x86: {  	_ =	shalt  }
0x87: {  	_ =	shalt  }
.Lfunc_end0:
.L_simem_size_0:
called_computation.2_lowered:
.L_overlay_start_0:
0x88: {  	s2 =	sld [smem:$0x3FD9]  }
0x89: {  	s3 =	sld [smem:$0x3FFE];
	_ =	sdelay $0x1  }
0x8a: {  	s1 =	srdreg.scid  }
0x8b: {  	s0 =	sand.u32 $0x1, s1  }
0x8c: {  	s16 =	sshll.u32 s0, $0xA;
	s2 =	sadd.s32 s3, s2  }
0x8d: {  	s2 =	sadd.s32 s2, s16  }
0x8e: {  	[smem:$0x3FB7] =	sst s2  }
0x8f: {  	_ = 	snop  }
0x90: {  	(tm) =	ssettm $0x1  }
0x91: {  	s17 =	sld [smem:$0x3FFB];
	_ =	sdelay $0x3  }
0x92: {  	_ =	strace s17  }
0x93: {  	s2 =	sld [smem:$0x3FFC];
	_ =	sdelay $0x3  }
0x94: {  	_ =	strace s2  }
0x95: {  	s2 =	sld [smem:$0x3FFD];
	_ =	sdelay $0x3  }
0x96: {  	_ =	strace s2  }
0x97: {  	_ =	strace $0x8FFFFFFF  }
0x98: {  	s18 =	sld [smem:$0x3FDB];
	_ =	sdelay $0x1  }
0x99: {  	s19 =	simm.s32 $_scs_section_size  }
0x9a: {  	s4 =	simm.s32 $_size__tile_overlayer_lowered;
	s5 =	simm.s32 $_tile_overlayer_lowered  }
0x9b: {  	s22 =	simm.s32 $0x1BFF;
	s21 =	sshll.u32 s5, $0x1;
	s2 =	sadd.s32 s19, s18  }
0x9c: {  	s6 =	simm.s32 $0x0;
	s20 =	sshll.u32 s4, $0x1;
	s4 =	sadd.s32 s21, s2  }
0x9d: {  	[timem:s6], [sflag:s22] =	dma.local [hbm:s4], s20  }
0x9e: {  	_ =	swait.ge [sflag:s22], s20  }
0x9f: {  	s3 =	ssub.s32 $0x0, s20;
	[sflag:s22] =	ssyncset.done $0x0  }
0xa0: {  	[sflag:s22] =	ssyncadd.s32 s3;
	_ =	sdelay $0x1  }
0xa1: {  	s23 =	simm.s32 $0x1B8B  }
0xa2: {  	_ =	swait.ge [sflag:s23], $0x1  }
0xa3: {  	[sflag:s23] =	ssyncset.done $0x0  }
0xa4: {  	s25 =	simm.s32 $0x1B8E;
	s24 =	sld [smem:$0x3FFE];
	[sflag:s23] =	ssyncadd.s32 $0xFFFFFFFF  }
0xa5: {  	s26 =	simm.s32 $execute0_lowered;
	[smem:$0x3FD2] =	sst s25  }
0xa6: {  	s4 =	sshll.u32 s26, $0x1;
	_ =	strace $0x8000004C;
	[dreg:$0x1] =	wrdreg $0xFFFFFFFF  }
0xa7: {  	s28 =	simm.s32 $_size_execute0_lowered;
	s2 =	sadd.s32 s2, s4;
	[dreg:$0x0] =	wrdreg $0x0  }
0xa8: {  	s4 =	sshll.u32 s28, $0x1;
	[dreg:$0x2] =	wrdreg s2  }
0xa9: {  	[dreg:$0x3] =	wrdreg s4  }
0xaa: {  	[dreg:$0x4] =	wrdreg $0xC0  }
0xab: {  	_ =	task [dreg:s6], $0x5FFFF  }
0xac: {  	[dreg:$0x1] =	wrdreg $0xFFFFFFFF  }
0xad: {  	[dreg:$0x0] =	wrdreg $0x60  }
0xae: {  	[dreg:$0x2] =	wrdreg s24  }
0xaf: {  	[dreg:$0x3] =	wrdreg $0x0  }
0xb0: {  	[dreg:$0x4] =	wrdreg $0xA0000  }
0xb1: {  	[dreg:$0x5] =	wrdreg $0x9  }
0xb2: {  	_ =	task.clear_ibuf [dreg:s6], $0x6FFFF;
	_ =	strace $0x9000004C  }
0xb3: {  	s29 =	simm.s32 $0x9;
	_ =	strace $0x8000004E  }
0xb4: {  	_ =	swait.ge [sflag:s29], $0x1  }
0xb5: {  	[sflag:s29] =	ssyncadd.s32 $0xFFFFFFFF  }
0xb6: {  	_ =	strace $0x9000004E  }
0xb7: {  	_ =	sfence  }
0xb8: {  	s30 =	sld [smem:$0x0];
	_ =	sdelay $0x2  }
0xb9: {  	s31 =	sshll.u32 s1, $0xD;
	s1 =	sshrl.u32 s1, $0x2  }
0xba: {  	s3 =	sand.u32 $0x4000, s31;
	s1 =	sadd.s32 s1, s30  }
0xbb: {  	s0 =	sor.u32 s3, s0;
	s1 =	sshll.u32 s1, $0x11  }
0xbc: {  	s0 =	sor.u32 s1, s0  }
0xbd: {  	s0 =	sadd.s32 $0x8F2B, s0  }
0xbe: {  	[sflag:s0] =	ssyncadd.remote.s32 $0x1  }
0xbf: {  	_ =	sfence.sel $0xFFFF  }
0xc0: {  	[dreg:$0x0] =	wrdreg $0xFFFFFFFF;
	(pc) =	sbr.abs _section_cstart, $3  }
0xc1: {  	[dreg:$0x1] =	wrdreg $0xFFFFFFFF  }
0xc2: {  	_ =	task.clear_ibuf [dreg:s6], $0x2FFFF;
	_ =	strace $0x9FFFFFFF  }
0xc3: {  	(tm) =	ssettm $0x7FFFFFFF  }
tec
execute0_lowered:
.L_overlay_start_1:
0x0: {  	(tag) =	ssettag $0x1  }
0x1: {  	s5 =	rddreg [dreg:$0x0]  }
0x2: {  	s2 =	rddreg [dreg:$0x1];
	s0 =	srdreg.scid  }
0x3: {  	s3 =	rddreg [dreg:$0x2];
	s1 =	stileid.u32  }
0x4: {  	s4 =	simm.s32 $0x0;
	s17 =	simm.s32 $0x14080;
	s18 =	simm.s32 $0x80  }
0x5: {  	s19 =	simm.s32 $0x14200;
	s20 =	simm.s32 $0x1;
	s21 =	simm.s32 $0x14100  }
0x6: {  	s22 =	simm.s32 $0x14180;
	s23 =	simm.s32 $0x18200;
	s24 =	simm.s32 $0x2  }
0x7: {  	s6 =	sand.u32 $0x1, s0;
	s0 =	rddreg [dreg:$0x3];
	s8 =	smul.u32 $0x14000, s1  }
0x8: {  	s25 =	simm.s32 $0x0;
	[smem:$0x7FF] =	sst s4;
	s30 =	smul.u32 $0x5000, s1  }
0x9: {  	s11 =	sadd.s32 $0x85C00, s5;
	s12 =	sadd.s32 $0x3A00, s5;
	s16 =	smul.u32 $0xA00, s1  }
0xa: {  	s31 =	sshll.u32 s1, $0x6;
	s7 =	smul.u32 $0x140000, s6;
	s6 =	ssub.s32 $0x2, s6  }
0xb: {  	_ =	strace $0x8000004D;
	s29 =	sshrl.u32 s6, $0x1;
	s13 =	sadd.s32 s8, s2  }
0xc: {  	s14 =	sshrl.u32 s30, $0x3;
	s15 =	sadd.s32 s8, s3;
	s7 =	sadd.s32 s8, s7  }
0xd: {  	s10 =	ssub.s32 s6, s29;
	s6 =	sor.u32 $0x1C03, s31;
	s8 =	sadd.s32 s12, s14  }
0xe: {  	s12 =	sadd.s32 s16, s12;
	s13 =	sshrl.u32 s13, $0x3;
	s7 =	sshrl.u32 s7, $0x3  }
0xf: {  	s15 =	sshrl.u32 s15, $0x3;
	s10 =	smax.u32 s10, $0x1;
	s9 =	sadd.s32 s7, s5  }
0x10: {  	s7 =	sadd.s32 s11, s14;
	s11 =	sadd.s32 s16, s11;
	s14 =	simm.s32 $0x3  }
0x11: {  	s16 =	simm.s32 $0x14000;
	s5 =	sadd.s32 $0xDC00, s9;
	s9 =	sadd.s32 $0x8FE00, s9  }
.LBB2_1:
0x12: {  	[spmem:s13], [sflag:s6] =	dma.local [hbm:s5], $0x2800  }
0x13: {  	_ =	swait.ge [sflag:s14], $0x2800  }
0x14: {  	[sflag:s14] =	ssyncset.done $0x0  }
0x15: {  	[sflag:s14] =	ssyncadd.s32 $0xFFFFD800  }
0x16: {  	[spmem:s15], [sflag:s6] =	dma.local [hbm:s5], $0x2800  }
0x17: {  	_ =	swait.ge [sflag:s14], $0x2800  }
0x18: {  	[sflag:s14] =	ssyncset.done $0x0  }
0x19: {  	[sflag:s14] =	ssyncadd.s32 $0xFFFFD800  }
0x1a: {  	[bflag:$0x0] =	sbarrier.arrive $0xFFFF  }
0x1b: {  	[tilespmem:s16], [sflag:$0x3] =	stream.linear.gather [hbm4b:s7+s4], $0x80, $0x38;
	[tilespmem:$0x1C200] =	vst v63  }
0x1c: {  	_ =	swait.ge [sflag:s14], $0x80  }
0x1d: {  	[sflag:s14] =	ssyncset.done $0x0  }
0x1e: {  	[sflag:s14] =	ssyncadd.s32 $0xFFFFFF80  }
0x1f: {  	[tilespmem:s17], [sflag:$0x3] =	stream.linear.gather [hbm4b:s8+s4], $0x80, $0x38;
	[tilespmem:$0x1C200] =	vst v63  }
0x20: {  	_ =	swait.ge [sflag:s14], $0x80  }
0x21: {  	[sflag:s14] =	ssyncset.done $0x0  }
0x22: {  	[sflag:s14] =	ssyncadd.s32 $0xFFFFFF80  }
0x23: {  	[tilespmem:s19], [sflag:$0x1] =	stream.indirect.gather [spmem:s2], $0x40, s16, s18, $0xb8;
	[tilespmem:$0x1C200] =	vst v63  }
0x24: {  	_ =	swait.ge [sflag:s20], $0x2000  }
0x25: {  	[sflag:s20] =	ssyncset.done $0x0  }
0x26: {  	s26 =	sadd.s32 $0xFFFFF600, s11;
	[sflag:s20] =	ssyncadd.s32 $0xFFFFE000  }
0x27: {  	[spmem:s3] =	stream.indirect.scatter.add.f32 [tilespmem:s19], [sflag:$0x2], $0x40, s17, s18, $0xb8;
	[tilespmem:$0x1C200] =	vst v63  }
0x28: {  	s28 =	sadd.s32 $0xA10, s26  }
0x29: {  	[tilespmem:s21], [sflag:$0x3] =	stream.linear.gather [hbm4b:s28+s4], $0x80, $0x38;
	[tilespmem:$0x1C200] =	vst v63  }
0x2a: {  	_ =	swait.ge [sflag:s14], $0x80  }
0x2b: {  	s28 =	sadd.s32 $0xFFFFF600, s12;
	[sflag:s14] =	ssyncset.done $0x0  }
0x2c: {  	s29 =	sadd.s32 $0xA10, s28;
	[sflag:s14] =	ssyncadd.s32 $0xFFFFFF80  }
0x2d: {  	[tilespmem:s22], [sflag:$0x3] =	stream.linear.gather [hbm4b:s29+s4], $0x80, $0x38;
	[tilespmem:$0x1C200] =	vst v63  }
0x2e: {  	_ =	swait.ge [sflag:s14], $0x80  }
0x2f: {  	[sflag:s14] =	ssyncset.done $0x0  }
0x30: {  	[sflag:s14] =	ssyncadd.s32 $0xFFFFFF80  }
0x31: {  	[tilespmem:s23], [sflag:$0x1] =	stream.indirect.gather [spmem:s2], $0x40, s21, s18, $0xb8;
	[tilespmem:$0x1C200] =	vst v63  }
0x32: {  	_ =	swait.ge [sflag:s20], $0x2000  }
0x33: {  	[sflag:s20] =	ssyncset.done $0x0  }
0x34: {  	[sflag:s20] =	ssyncadd.s32 $0xFFFFE000  }
0x35: {  	_ =	swait.ge [sflag:s24], $0x2000  }
0x36: {  	[sflag:s24] =	ssyncset.done $0x0  }
0x37: {  	[sflag:s24] =	ssyncadd.s32 $0xFFFFE000  }
0x38: {  	[spmem:s3] =	stream.indirect.scatter.add.f32 [tilespmem:s23], [sflag:$0x2], $0x40, s22, s18, $0xb8;
	[tilespmem:$0x1C200] =	vst v63  }
0x39: {  	s26 =	sadd.s32 $0xA20, s26  }
0x3a: {  	[tilespmem:s16], [sflag:$0x3] =	stream.linear.gather [hbm4b:s26+s4], $0x80, $0x38;
	[tilespmem:$0x1C200] =	vst v63  }
0x3b: {  	_ =	swait.ge [sflag:s14], $0x80  }
0x3c: {  	[sflag:s14] =	ssyncset.done $0x0  }
0x3d: {  	s31 =	sadd.s32 $0xA20, s28;
	[sflag:s14] =	ssyncadd.s32 $0xFFFFFF80  }
0x3e: {  	[tilespmem:s17], [sflag:$0x3] =	stream.linear.gather [hbm4b:s31+s4], $0x80, $0x38;
	[tilespmem:$0x1C200] =	vst v63  }
0x3f: {  	_ =	swait.ge [sflag:s14], $0x80  }
0x40: {  	[sflag:s14] =	ssyncset.done $0x0  }
0x41: {  	[sflag:s14] =	ssyncadd.s32 $0xFFFFFF80  }
0x42: {  	[tilespmem:s19], [sflag:$0x1] =	stream.indirect.gather [spmem:s2], $0x40, s16, s18, $0xb8;
	[tilespmem:$0x1C200] =	vst v63  }
0x43: {  	_ =	swait.ge [sflag:s20], $0x2000  }
0x44: {  	[sflag:s20] =	ssyncset.done $0x0  }
0x45: {  	[sflag:s20] =	ssyncadd.s32 $0xFFFFE000  }
0x46: {  	_ =	swait.ge [sflag:s24], $0x2000  }
0x47: {  	s28 =	simm.s32 $0xFFFFF620;
	[sflag:s24] =	ssyncset.done $0x0  }
.LBB2_2:
0x48: {  	s29 =	sadd.s32 s28, s11  }
0x49: {  	[sflag:s24] =	ssyncadd.s32 $0xFFFFE000;
	s30 =	smov.u32 s28;
	s26 =	sadd.s32 $0x20, s28  }
0x4a: {  	[spmem:s3] =	stream.indirect.scatter.add.f32 [tilespmem:s19], [sflag:$0x2], $0x40, s17, s18, $0xb8;
	[tilespmem:$0x1C200] =	vst v63  }
0x4b: {  	p0 =	sne.s32 s28, $0xFFFFFFE0;
	s31 =	sadd.s32 $0xA10, s29  }
0x4c: {  	[tilespmem:s21], [sflag:$0x3] =	stream.linear.gather [hbm4b:s31+s4], $0x80, $0x38;
	[tilespmem:$0x1C200] =	vst v63  }
0x4d: {  	_ =	swait.ge [sflag:s14], $0x80  }
0x4e: {  	s28 =	sadd.s32 s30, s12;
	[sflag:s14] =	ssyncset.done $0x0  }
0x4f: {  	s30 =	sadd.s32 $0xA10, s28;
	[sflag:s14] =	ssyncadd.s32 $0xFFFFFF80  }
0x50: {  	[tilespmem:s22], [sflag:$0x3] =	stream.linear.gather [hbm4b:s30+s4], $0x80, $0x38;
	[tilespmem:$0x1C200] =	vst v63  }
0x51: {  	_ =	swait.ge [sflag:s14], $0x80  }
0x52: {  	[sflag:s14] =	ssyncset.done $0x0  }
0x53: {  	[sflag:s14] =	ssyncadd.s32 $0xFFFFFF80  }
0x54: {  	[tilespmem:s23], [sflag:$0x1] =	stream.indirect.gather [spmem:s2], $0x40, s21, s18, $0xb8;
	[tilespmem:$0x1C200] =	vst v63  }
0x55: {  	_ =	swait.ge [sflag:s20], $0x2000  }
0x56: {  	[sflag:s20] =	ssyncset.done $0x0  }
0x57: {  	[sflag:s20] =	ssyncadd.s32 $0xFFFFE000  }
0x58: {  	_ =	swait.ge [sflag:s24], $0x2000  }
0x59: {  	[sflag:s24] =	ssyncset.done $0x0  }
0x5a: {  	[sflag:s24] =	ssyncadd.s32 $0xFFFFE000  }
0x5b: {  	[spmem:s3] =	stream.indirect.scatter.add.f32 [tilespmem:s23], [sflag:$0x2], $0x40, s22, s18, $0xb8;
	[tilespmem:$0x1C200] =	vst v63  }
0x5c: {  	s29 =	sadd.s32 $0xA20, s29  }
0x5d: {  	[tilespmem:s16], [sflag:$0x3] =	stream.linear.gather [hbm4b:s29+s4], $0x80, $0x38;
	[tilespmem:$0x1C200] =	vst v63  }
0x5e: {  	_ =	swait.ge [sflag:s14], $0x80  }
0x5f: {  	[sflag:s14] =	ssyncset.done $0x0  }
0x60: {  	s28 =	sadd.s32 $0xA20, s28;
	[sflag:s14] =	ssyncadd.s32 $0xFFFFFF80  }
0x61: {  	[tilespmem:s17], [sflag:$0x3] =	stream.linear.gather [hbm4b:s28+s4], $0x80, $0x38;
	[tilespmem:$0x1C200] =	vst v63  }
0x62: {  	_ =	swait.ge [sflag:s14], $0x80  }
0x63: {  	[sflag:s14] =	ssyncset.done $0x0  }
0x64: {  	[sflag:s14] =	ssyncadd.s32 $0xFFFFFF80  }
0x65: {  	[tilespmem:s19], [sflag:$0x1] =	stream.indirect.gather [spmem:s2], $0x40, s16, s18, $0xb8;
	[tilespmem:$0x1C200] =	vst v63  }
.Ltmp0:
0x66: {  	_ =	swait.ge [sflag:s20], $0x2000;
	(pc) =	sbr.rel @p0 .LBB2_2-.Ltmp0, $4  }
0x67: {  	[sflag:s20] =	ssyncset.done $0x0  }
0x68: {  	[sflag:s20] =	ssyncadd.s32 $0xFFFFE000  }
0x69: {  	_ =	swait.ge [sflag:s24], $0x2000  }
0x6a: {  	s28 =	smov.u32 s26;
	[sflag:s24] =	ssyncset.done $0x0  }
0x6b: {  	s25 =	sadd.s32 $0x1, s25  }
0x6c: {  	[sflag:s24] =	ssyncadd.s32 $0xFFFFE000;
	p0 =	sne.s32 s25, s10  }
.Ltmp1:
0x6d: {  	[bflag:$0x0] =	sbarrier.arrive $0xFFFF;
	(pc) =	sbr.rel @p0 .LBB2_1-.Ltmp1, $4  }
0x6e: {  	[hbm:s9], [sflag:s6] =	dma.local [spmem:s15], $0x2800  }
0x6f: {  	_ =	swait.ge [sflag:s14], $0x2800  }
0x70: {  	[sflag:s14] =	ssyncset.done $0x0  }
0x71: {  	[sflag:s14] =	ssyncadd.s32 $0xFFFFD800  }
0x72: {  	_ =	sfence.sel $0x180000  }
0x73: {  	[bflag:$0x0] =	sbarrier.arrive $0xFFFF  }
0x74: {  	p0 =	sne.s32 s1, $0x0;
	_ =	strace $0x9000004D  }
0x75: {  	s0 =	sadd.s32 @!p0 $0x100000, s0;
	[bflag:$0x2] =	sbarrier.arrive $0xFFFF  }
0x76: {  	[sflag:s0] =	ssyncadd.tile.s32 @!p0 $0x1;
	_ =	shalt  }
.Lfunc_end2:
_tile_overlayer_lowered:
.L_overlay_start_2:
0x77: {  	(tag) =	ssettag $0x2  }
0x78: {  	s0 =	rddreg [dreg:$0x0];
	s2 =	stileid.u32  }
0x79: {  	s1 =	rddreg [dreg:$0x1];
	p0 =	sne.s32 s2, $0x0  }
0x7a: {  	s3 =	rddreg [dreg:$0x2];
	[bflag:$0x3] =	sbarrier.arrive $0xFFFF;
	s2 =	simm.s32 @!p0 $0x1C03  }
0x7b: {  	[timem:s3], [sflag:s2] =	dma.local @!p0 [hbm:s0], s1  }
0x7c: {  	s0 =	simm.s32 @!p0 $0x3  }
0x7d: {  	_ =	swait.ge @!p0 [sflag:s0], s1  }
0x7e: {  	s1 =	ssub.s32 @!p0 $0x0, s1;
	[sflag:s0] =	ssyncset.done @!p0 $0x0  }
0x7f: {  	[sflag:s0] =	ssyncadd.s32 @!p0 s1  }
0x80: {  	[bflag:$0x3] =	sbarrier.arrive $0xFFFF  }
0x81: {  	_ =	shalt  }

// kernel: kernel.19.cloned.1.call-start
scs
__scs_entry_jumppad:
0x0: {  	(pc) =	sbr.rel $0x88, $3  }
0x1: {  	(tag) =	ssettag $0x0;
	lr =	simm.s32 $0x1  }
0x2: {  	[smem:$0x3F90] =	sst lr;
	_ =	strace $0xD0000000  }
0x3: {  	_ = 	snop  }
0x4: {  	_ = 	snop  }
0x5: {  	_ = 	snop  }
0x6: {  	_ = 	snop  }
0x7: {  	_ = 	snop  }
__scs_overlays_trampoline_lowered:
0x8: {  	[smem:$0x3F9F] =	sst s0  }
0x9: {  	[smem:$0x3FA0] =	sst s1  }
0xa: {  	[smem:$0x3FA1] =	sst s2  }
0xb: {  	[smem:$0x3FA2] =	sst s3  }
0xc: {  	[smem:$0x3FA3] =	sst s4  }
0xd: {  	[smem:$0x3FA4] =	sst s5  }
0xe: {  	[smem:$0x3FA5] =	sst s6  }
0xf: {  	[smem:$0x3FA6] =	sst s7  }
0x10: {  	[smem:$0x3FA7] =	sst s8  }
0x11: {  	[smem:$0x3FA8] =	sst s9;
	s0 =	simm.s32 @!p0 $0x0  }
0x12: {  	s1 =	sld [smem:$0x3F8E];
	s0 =	simm.s32 @p0 $0x1  }
0x13: {  	[smem:$0x3FA9] =	sst s0;
	s0 =	simm.s32 @!p1 $0x0  }
0x14: {  	s2 =	sld [smem:$0x3F8D];
	s0 =	simm.s32 @p1 $0x1  }
0x15: {  	[smem:$0x3FAA] =	sst s0;
	s0 =	simm.s32 @!p2 $0x0  }
0x16: {  	s3 =	sld [smem:$0x3FDB];
	s0 =	simm.s32 @p2 $0x1  }
0x17: {  	s4 =	simm.s32 $0x1BF5;
	[smem:$0x3FAC] =	sst s0  }
0x18: {  	s0 =	sld [smem:$0x3F8F];
	_ =	swait.ge [sflag:s4], $0x0  }
0x19: {  	s7 =	sld [smem:$0x3F90]  }
0x1a: {  	s8 =	sadd.s32 $0xFFFFE003, lr  }
0x1b: {  	s9 =	sadd.s32 $0xFFFFFEF7, lr;
	s5 =	simm.s32 $0xFFFFFFFF;
	p2 =	slt.u32 s8, $0xFFFFF086  }
0x1c: {  	p1 =	slt.u32 s9, $0xF7A;
	s5 =	simm.s32 @!p2 $0x0  }
0x1d: {  	s5 =	simm.s32 @p1 $0x1;
	p0 =	seq.s32 s7, s2  }
0x1e: {  	s7 =	smul.u32 @!p0 $0xF7A, s2;
	p2 =	seq.s32 @!p0 s5, $0x0  }
0x1f: {  	s9 =	smul.u32 $0xF7A, s1;
	s8 =	simm.s32 @!p0 $0x1BF5;
	p2 =	por !p2, p0  }
0x20: {  	[sflag:s8] =	ssyncset.s32 @!p0 $0xFFFFF086;
	s6 =	sadd.s32 @!p0 s3, s7;
	s7 =	simm.s32 @!p0 $0x108  }
0x21: {  	s3 =	sadd.s32 s3, s9;
	s6 =	sadd.s32 @!p0 $0x88, s6;
	s7 =	simm.s32 @p2 $0x1082  }
0x22: {  	[simem:s7], [sflag:s8] =	dma.local @!p0 [hbm:s6], $0xF7A  }
0x23: {  	s9 =	sor.u32 $0xD0000000, s2;
	s6 =	simm.s32 $0x108;
	_ =	swait.ge @!p0 [sflag:s8], $0x0  }
0x24: {  	s3 =	sadd.s32 $0x88, s3;
	s6 =	simm.s32 @!p1 $0x1082;
	[sflag:s4] =	ssyncset.s32 $0xFFFFF086  }
0x25: {  	[simem:s6], [sflag:s4] =	dma.local [hbm:s3], $0xF7A  }
0x26: {  	[smem:$0x3F90] =	sst s1;
	(tag) =	ssettag s2;
	_ =	strace s9  }
0x27: {  	s1 =	sld [smem:$0x3FA0]  }
0x28: {  	s2 =	sld [smem:$0x3FA1]  }
0x29: {  	s4 =	sld [smem:$0x3FA3]  }
0x2a: {  	p0 =	seq.s32 s5, $0x0;
	s5 =	sld [smem:$0x3FA4]  }
0x2b: {  	s6 =	sld [smem:$0x3FA5]  }
0x2c: {  	s7 =	sld [smem:$0x3FA6]  }
0x2d: {  	s3 =	simm.s32 $0x108;
	s8 =	sld [smem:$0x3FA7]  }
0x2e: {  	s3 =	simm.s32 @!p0 $0x1082;
	s9 =	sld [smem:$0x3FA8]  }
0x2f: {  	lr =	sadd.s32 s0, s3;
	s0 =	sld [smem:$0x3F9F]  }
0x30: {  	s3 =	sld [smem:$0x3FA2]  }
0x31: {  	[smem:$0x3FAB] =	sst s10  }
0x32: {  	s10 =	sld [smem:$0x3FA9];
	_ =	sdelay $0x3  }
0x33: {  	p0 =	seq.s32 s10, $0x1;
	s10 =	sld [smem:$0x3FAB];
	_ =	sdelay $0x3  }
0x34: {  	[smem:$0x3FAB] =	sst s10  }
0x35: {  	s10 =	sld [smem:$0x3FAA];
	_ =	sdelay $0x3  }
0x36: {  	p1 =	seq.s32 s10, $0x1;
	s10 =	sld [smem:$0x3FAB];
	_ =	sdelay $0x3  }
0x37: {  	[smem:$0x3FAB] =	sst s10  }
0x38: {  	s10 =	sld [smem:$0x3FAC]  }
0x39: {  	_ = 	snop;
	(pc) =	sbr.ind lr, $3  }
0x3a: {  	_ = 	snop  }
0x3b: {  	_ = 	snop  }
0x3c: {  	p2 =	seq.s32 s10, $0x1;
	s10 =	sld [smem:$0x3FAB]  }
0x3d: {  	_ =	shalt  }
0x3e: {  	_ =	shalt  }
0x3f: {  	_ =	shalt  }
0x40: {  	_ =	shalt  }
0x41: {  	_ =	shalt  }
0x42: {  	_ =	shalt  }
0x43: {  	_ =	shalt  }
0x44: {  	_ =	shalt  }
0x45: {  	_ =	shalt  }
0x46: {  	_ =	shalt  }
0x47: {  	_ =	shalt  }
0x48: {  	_ =	shalt  }
0x49: {  	_ =	shalt  }
0x4a: {  	_ =	shalt  }
0x4b: {  	_ =	shalt  }
0x4c: {  	_ =	shalt  }
0x4d: {  	_ =	shalt  }
0x4e: {  	_ =	shalt  }
0x4f: {  	_ =	shalt  }
0x50: {  	_ =	shalt  }
0x51: {  	_ =	shalt  }
0x52: {  	_ =	shalt  }
0x53: {  	_ =	shalt  }
0x54: {  	_ =	shalt  }
0x55: {  	_ =	shalt  }
0x56: {  	_ =	shalt  }
0x57: {  	_ =	shalt  }
0x58: {  	_ =	shalt  }
0x59: {  	_ =	shalt  }
0x5a: {  	_ =	shalt  }
0x5b: {  	_ =	shalt  }
0x5c: {  	_ =	shalt  }
0x5d: {  	_ =	shalt  }
0x5e: {  	_ =	shalt  }
0x5f: {  	_ =	shalt  }
0x60: {  	_ =	shalt  }
0x61: {  	_ =	shalt  }
0x62: {  	_ =	shalt  }
0x63: {  	_ =	shalt  }
0x64: {  	_ =	shalt  }
0x65: {  	_ =	shalt  }
0x66: {  	_ =	shalt  }
0x67: {  	_ =	shalt  }
0x68: {  	_ =	shalt  }
0x69: {  	_ =	shalt  }
0x6a: {  	_ =	shalt  }
0x6b: {  	_ =	shalt  }
0x6c: {  	_ =	shalt  }
0x6d: {  	_ =	shalt  }
0x6e: {  	_ =	shalt  }
0x6f: {  	_ =	shalt  }
0x70: {  	_ =	shalt  }
0x71: {  	_ =	shalt  }
0x72: {  	_ =	shalt  }
0x73: {  	_ =	shalt  }
0x74: {  	_ =	shalt  }
0x75: {  	_ =	shalt  }
0x76: {  	_ =	shalt  }
0x77: {  	_ =	shalt  }
0x78: {  	_ =	shalt  }
0x79: {  	_ =	shalt  }
0x7a: {  	_ =	shalt  }
0x7b: {  	_ =	shalt  }
0x7c: {  	_ =	shalt  }
0x7d: {  	_ =	shalt  }
0x7e: {  	_ =	shalt  }
0x7f: {  	_ =	shalt  }
0x80: {  	_ =	shalt  }
0x81: {  	_ =	shalt  }
0x82: {  	_ =	shalt  }
0x83: {  	_ =	shalt  }
0x84: {  	_ =	shalt  }
0x85: {  	_ =	shalt  }
0x86: {  	_ =	shalt  }
0x87: {  	_ =	shalt  }
.Lfunc_end0:
.L_simem_size_0:
called_computation.3_lowered:
.L_overlay_start_0:
0x88: {  	s2 =	sld [smem:$0x3FD9]  }
0x89: {  	s3 =	sld [smem:$0x3FFE];
	_ =	sdelay $0x1  }
0x8a: {  	s1 =	srdreg.scid  }
0x8b: {  	s0 =	sand.u32 $0x1, s1  }
0x8c: {  	s16 =	sshll.u32 s0, $0xA;
	s2 =	sadd.s32 s3, s2  }
0x8d: {  	s2 =	sadd.s32 s2, s16  }
0x8e: {  	[smem:$0x3FB7] =	sst s2  }
0x8f: {  	_ = 	snop  }
0x90: {  	(tm) =	ssettm $0x1  }
0x91: {  	s17 =	sld [smem:$0x3FFB];
	_ =	sdelay $0x3  }
0x92: {  	_ =	strace s17  }
0x93: {  	s2 =	sld [smem:$0x3FFC];
	_ =	sdelay $0x3  }
0x94: {  	_ =	strace s2  }
0x95: {  	s2 =	sld [smem:$0x3FFD];
	_ =	sdelay $0x3  }
0x96: {  	_ =	strace s2  }
0x97: {  	_ =	strace $0x8FFFFFFF  }
0x98: {  	s18 =	sld [smem:$0x3FDB];
	_ =	sdelay $0x1  }
0x99: {  	s19 =	simm.s32 $_scs_section_size  }
0x9a: {  	s4 =	simm.s32 $_size__tile_overlayer_lowered;
	s5 =	simm.s32 $_tile_overlayer_lowered  }
0x9b: {  	s22 =	simm.s32 $0x1BFF;
	s21 =	sshll.u32 s5, $0x1;
	s2 =	sadd.s32 s19, s18  }
0x9c: {  	s6 =	simm.s32 $0x0;
	s20 =	sshll.u32 s4, $0x1;
	s4 =	sadd.s32 s21, s2  }
0x9d: {  	[timem:s6], [sflag:s22] =	dma.local [hbm:s4], s20  }
0x9e: {  	_ =	swait.ge [sflag:s22], s20  }
0x9f: {  	s3 =	ssub.s32 $0x0, s20;
	[sflag:s22] =	ssyncset.done $0x0  }
0xa0: {  	[sflag:s22] =	ssyncadd.s32 s3;
	_ =	sdelay $0x1  }
0xa1: {  	s23 =	simm.s32 $0x1B8B  }
0xa2: {  	_ =	swait.ge [sflag:s23], $0x1  }
0xa3: {  	[sflag:s23] =	ssyncset.done $0x0  }
0xa4: {  	s25 =	simm.s32 $0x1B8E;
	s24 =	sld [smem:$0x3FFE];
	[sflag:s23] =	ssyncadd.s32 $0xFFFFFFFF  }
0xa5: {  	s26 =	simm.s32 $execute0_lowered;
	[smem:$0x3FD2] =	sst s25  }
0xa6: {  	s4 =	sshll.u32 s26, $0x1;
	_ =	strace $0x8000004F;
	[dreg:$0x1] =	wrdreg $0xFFFFFFFF  }
0xa7: {  	s28 =	simm.s32 $_size_execute0_lowered;
	s2 =	sadd.s32 s2, s4;
	[dreg:$0x0] =	wrdreg $0x0  }
0xa8: {  	s4 =	sshll.u32 s28, $0x1;
	[dreg:$0x2] =	wrdreg s2  }
0xa9: {  	[dreg:$0x3] =	wrdreg s4  }
0xaa: {  	[dreg:$0x4] =	wrdreg $0xC0  }
0xab: {  	_ =	task [dreg:s6], $0x5FFFF  }
0xac: {  	[dreg:$0x1] =	wrdreg $0xFFFFFFFF  }
0xad: {  	[dreg:$0x0] =	wrdreg $0x60  }
0xae: {  	[dreg:$0x2] =	wrdreg s24  }
0xaf: {  	[dreg:$0x3] =	wrdreg $0x0  }
0xb0: {  	[dreg:$0x4] =	wrdreg $0xA0000  }
0xb1: {  	[dreg:$0x5] =	wrdreg $0x9  }
0xb2: {  	_ =	task.clear_ibuf [dreg:s6], $0x6FFFF;
	_ =	strace $0x9000004F  }
0xb3: {  	s29 =	simm.s32 $0x9;
	_ =	strace $0x80000051  }
0xb4: {  	_ =	swait.ge [sflag:s29], $0x1  }
0xb5: {  	[sflag:s29] =	ssyncadd.s32 $0xFFFFFFFF  }
0xb6: {  	_ =	strace $0x90000051  }
0xb7: {  	_ =	sfence  }
0xb8: {  	s30 =	sld [smem:$0x0];
	_ =	sdelay $0x2  }
0xb9: {  	s31 =	sshll.u32 s1, $0xD;
	s1 =	sshrl.u32 s1, $0x2  }
0xba: {  	s3 =	sand.u32 $0x4000, s31;
	s1 =	sadd.s32 s1, s30  }
0xbb: {  	s0 =	sor.u32 s3, s0;
	s1 =	sshll.u32 s1, $0x11  }
0xbc: {  	s0 =	sor.u32 s1, s0  }
0xbd: {  	s0 =	sadd.s32 $0x8F2B, s0  }
0xbe: {  	[sflag:s0] =	ssyncadd.remote.s32 $0x1  }
0xbf: {  	_ =	sfence.sel $0xFFFF  }
0xc0: {  	[dreg:$0x0] =	wrdreg $0xFFFFFFFF;
	(pc) =	sbr.abs _section_cstart, $3  }
0xc1: {  	[dreg:$0x1] =	wrdreg $0xFFFFFFFF  }
0xc2: {  	_ =	task.clear_ibuf [dreg:s6], $0x2FFFF;
	_ =	strace $0x9FFFFFFF  }
0xc3: {  	(tm) =	ssettm $0x7FFFFFFF  }
tec
execute0_lowered:
.L_overlay_start_1:
0x0: {  	(tag) =	ssettag $0x1  }
0x1: {  	s5 =	rddreg [dreg:$0x0]  }
0x2: {  	s2 =	rddreg [dreg:$0x1];
	s0 =	srdreg.scid  }
0x3: {  	s3 =	rddreg [dreg:$0x2];
	s1 =	stileid.u32  }
0x4: {  	s4 =	simm.s32 $0x0;
	s17 =	simm.s32 $0x14080;
	s18 =	simm.s32 $0x80  }
0x5: {  	s19 =	simm.s32 $0x14200;
	s20 =	simm.s32 $0x1;
	s21 =	simm.s32 $0x14100  }
0x6: {  	s22 =	simm.s32 $0x14180;
	s23 =	simm.s32 $0x18200;
	s24 =	simm.s32 $0x2  }
0x7: {  	s6 =	sand.u32 $0x1, s0;
	s0 =	rddreg [dreg:$0x3];
	s8 =	smul.u32 $0x14000, s1  }
0x8: {  	s25 =	simm.s32 $0x0;
	[smem:$0x7FF] =	sst s4;
	s30 =	smul.u32 $0x5000, s1  }
0x9: {  	s11 =	sadd.s32 $0x85C00, s5;
	s12 =	sadd.s32 $0x3A00, s5;
	s16 =	smul.u32 $0xA00, s1  }
0xa: {  	s31 =	sshll.u32 s1, $0x6;
	s7 =	smul.u32 $0x140000, s6;
	s6 =	ssub.s32 $0x2, s6  }
0xb: {  	_ =	strace $0x80000050;
	s29 =	sshrl.u32 s6, $0x1;
	s13 =	sadd.s32 s8, s2  }
0xc: {  	s14 =	sshrl.u32 s30, $0x3;
	s15 =	sadd.s32 s8, s3;
	s7 =	sadd.s32 s8, s7  }
0xd: {  	s10 =	ssub.s32 s6, s29;
	s6 =	sor.u32 $0x1C03, s31;
	s8 =	sadd.s32 s12, s14  }
0xe: {  	s12 =	sadd.s32 s16, s12;
	s13 =	sshrl.u32 s13, $0x3;
	s7 =	sshrl.u32 s7, $0x3  }
0xf: {  	s15 =	sshrl.u32 s15, $0x3;
	s10 =	smax.u32 s10, $0x1;
	s9 =	sadd.s32 s7, s5  }
0x10: {  	s7 =	sadd.s32 s11, s14;
	s11 =	sadd.s32 s16, s11;
	s14 =	simm.s32 $0x3  }
0x11: {  	s16 =	simm.s32 $0x14000;
	s5 =	sadd.s32 $0xDC00, s9;
	s9 =	sadd.s32 $0x8FE00, s9  }
.LBB2_1:
0x12: {  	[spmem:s13], [sflag:s6] =	dma.local [hbm:s5], $0x2800  }
0x13: {  	_ =	swait.ge [sflag:s14], $0x2800  }
0x14: {  	[sflag:s14] =	ssyncset.done $0x0  }
0x15: {  	[sflag:s14] =	ssyncadd.s32 $0xFFFFD800  }
0x16: {  	[spmem:s15], [sflag:s6] =	dma.local [hbm:s5], $0x2800  }
0x17: {  	_ =	swait.ge [sflag:s14], $0x2800  }
0x18: {  	[sflag:s14] =	ssyncset.done $0x0  }
0x19: {  	[sflag:s14] =	ssyncadd.s32 $0xFFFFD800  }
0x1a: {  	[bflag:$0x0] =	sbarrier.arrive $0xFFFF  }
0x1b: {  	[tilespmem:s16], [sflag:$0x3] =	stream.linear.gather [hbm4b:s7+s4], $0x80, $0x38;
	[tilespmem:$0x1C200] =	vst v63  }
0x1c: {  	_ =	swait.ge [sflag:s14], $0x80  }
0x1d: {  	[sflag:s14] =	ssyncset.done $0x0  }
0x1e: {  	[sflag:s14] =	ssyncadd.s32 $0xFFFFFF80  }
0x1f: {  	[tilespmem:s17], [sflag:$0x3] =	stream.linear.gather [hbm4b:s8+s4], $0x80, $0x38;
	[tilespmem:$0x1C200] =	vst v63  }
0x20: {  	_ =	swait.ge [sflag:s14], $0x80  }
0x21: {  	[sflag:s14] =	ssyncset.done $0x0  }
0x22: {  	[sflag:s14] =	ssyncadd.s32 $0xFFFFFF80  }
0x23: {  	[tilespmem:s19], [sflag:$0x1] =	stream.indirect.gather [spmem:s2], $0x40, s16, s18, $0xb8;
	[tilespmem:$0x1C200] =	vst v63  }
0x24: {  	_ =	swait.ge [sflag:s20], $0x2000  }
0x25: {  	[sflag:s20] =	ssyncset.done $0x0  }
0x26: {  	s26 =	sadd.s32 $0xFFFFF600, s11;
	[sflag:s20] =	ssyncadd.s32 $0xFFFFE000  }
0x27: {  	[spmem:s3] =	stream.indirect.scatter.add.f32 [tilespmem:s19], [sflag:$0x2], $0x40, s17, s18, $0xb8;
	[tilespmem:$0x1C200] =	vst v63  }
0x28: {  	s28 =	sadd.s32 $0xA10, s26  }
0x29: {  	[tilespmem:s21], [sflag:$0x3] =	stream.linear.gather [hbm4b:s28+s4], $0x80, $0x38;
	[tilespmem:$0x1C200] =	vst v63  }
0x2a: {  	_ =	swait.ge [sflag:s14], $0x80  }
0x2b: {  	s28 =	sadd.s32 $0xFFFFF600, s12;
	[sflag:s14] =	ssyncset.done $0x0  }
0x2c: {  	s29 =	sadd.s32 $0xA10, s28;
	[sflag:s14] =	ssyncadd.s32 $0xFFFFFF80  }
0x2d: {  	[tilespmem:s22], [sflag:$0x3] =	stream.linear.gather [hbm4b:s29+s4], $0x80, $0x38;
	[tilespmem:$0x1C200] =	vst v63  }
0x2e: {  	_ =	swait.ge [sflag:s14], $0x80  }
0x2f: {  	[sflag:s14] =	ssyncset.done $0x0  }
0x30: {  	[sflag:s14] =	ssyncadd.s32 $0xFFFFFF80  }
0x31: {  	[tilespmem:s23], [sflag:$0x1] =	stream.indirect.gather [spmem:s2], $0x40, s21, s18, $0xb8;
	[tilespmem:$0x1C200] =	vst v63  }
0x32: {  	_ =	swait.ge [sflag:s20], $0x2000  }
0x33: {  	[sflag:s20] =	ssyncset.done $0x0  }
0x34: {  	[sflag:s20] =	ssyncadd.s32 $0xFFFFE000  }
0x35: {  	_ =	swait.ge [sflag:s24], $0x2000  }
0x36: {  	[sflag:s24] =	ssyncset.done $0x0  }
0x37: {  	[sflag:s24] =	ssyncadd.s32 $0xFFFFE000  }
0x38: {  	[spmem:s3] =	stream.indirect.scatter.add.f32 [tilespmem:s23], [sflag:$0x2], $0x40, s22, s18, $0xb8;
	[tilespmem:$0x1C200] =	vst v63  }
0x39: {  	s26 =	sadd.s32 $0xA20, s26  }
0x3a: {  	[tilespmem:s16], [sflag:$0x3] =	stream.linear.gather [hbm4b:s26+s4], $0x80, $0x38;
	[tilespmem:$0x1C200] =	vst v63  }
0x3b: {  	_ =	swait.ge [sflag:s14], $0x80  }
0x3c: {  	[sflag:s14] =	ssyncset.done $0x0  }
0x3d: {  	s31 =	sadd.s32 $0xA20, s28;
	[sflag:s14] =	ssyncadd.s32 $0xFFFFFF80  }
0x3e: {  	[tilespmem:s17], [sflag:$0x3] =	stream.linear.gather [hbm4b:s31+s4], $0x80, $0x38;
	[tilespmem:$0x1C200] =	vst v63  }
0x3f: {  	_ =	swait.ge [sflag:s14], $0x80  }
0x40: {  	[sflag:s14] =	ssyncset.done $0x0  }
0x41: {  	[sflag:s14] =	ssyncadd.s32 $0xFFFFFF80  }
0x42: {  	[tilespmem:s19], [sflag:$0x1] =	stream.indirect.gather [spmem:s2], $0x40, s16, s18, $0xb8;
	[tilespmem:$0x1C200] =	vst v63  }
0x43: {  	_ =	swait.ge [sflag:s20], $0x2000  }
0x44: {  	[sflag:s20] =	ssyncset.done $0x0  }
0x45: {  	[sflag:s20] =	ssyncadd.s32 $0xFFFFE000  }
0x46: {  	_ =	swait.ge [sflag:s24], $0x2000  }
0x47: {  	s28 =	simm.s32 $0xFFFFF620;
	[sflag:s24] =	ssyncset.done $0x0  }
.LBB2_2:
0x48: {  	s29 =	sadd.s32 s28, s11  }
0x49: {  	[sflag:s24] =	ssyncadd.s32 $0xFFFFE000;
	s30 =	smov.u32 s28;
	s26 =	sadd.s32 $0x20, s28  }
0x4a: {  	[spmem:s3] =	stream.indirect.scatter.add.f32 [tilespmem:s19], [sflag:$0x2], $0x40, s17, s18, $0xb8;
	[tilespmem:$0x1C200] =	vst v63  }
0x4b: {  	p0 =	sne.s32 s28, $0xFFFFFFE0;
	s31 =	sadd.s32 $0xA10, s29  }
0x4c: {  	[tilespmem:s21], [sflag:$0x3] =	stream.linear.gather [hbm4b:s31+s4], $0x80, $0x38;
	[tilespmem:$0x1C200] =	vst v63  }
0x4d: {  	_ =	swait.ge [sflag:s14], $0x80  }
0x4e: {  	s28 =	sadd.s32 s30, s12;
	[sflag:s14] =	ssyncset.done $0x0  }
0x4f: {  	s30 =	sadd.s32 $0xA10, s28;
	[sflag:s14] =	ssyncadd.s32 $0xFFFFFF80  }
0x50: {  	[tilespmem:s22], [sflag:$0x3] =	stream.linear.gather [hbm4b:s30+s4], $0x80, $0x38;
	[tilespmem:$0x1C200] =	vst v63  }
0x51: {  	_ =	swait.ge [sflag:s14], $0x80  }
0x52: {  	[sflag:s14] =	ssyncset.done $0x0  }
0x53: {  	[sflag:s14] =	ssyncadd.s32 $0xFFFFFF80  }
0x54: {  	[tilespmem:s23], [sflag:$0x1] =	stream.indirect.gather [spmem:s2], $0x40, s21, s18, $0xb8;
	[tilespmem:$0x1C200] =	vst v63  }
0x55: {  	_ =	swait.ge [sflag:s20], $0x2000  }
0x56: {  	[sflag:s20] =	ssyncset.done $0x0  }
0x57: {  	[sflag:s20] =	ssyncadd.s32 $0xFFFFE000  }
0x58: {  	_ =	swait.ge [sflag:s24], $0x2000  }
0x59: {  	[sflag:s24] =	ssyncset.done $0x0  }
0x5a: {  	[sflag:s24] =	ssyncadd.s32 $0xFFFFE000  }
0x5b: {  	[spmem:s3] =	stream.indirect.scatter.add.f32 [tilespmem:s23], [sflag:$0x2], $0x40, s22, s18, $0xb8;
	[tilespmem:$0x1C200] =	vst v63  }
0x5c: {  	s29 =	sadd.s32 $0xA20, s29  }
0x5d: {  	[tilespmem:s16], [sflag:$0x3] =	stream.linear.gather [hbm4b:s29+s4], $0x80, $0x38;
	[tilespmem:$0x1C200] =	vst v63  }
0x5e: {  	_ =	swait.ge [sflag:s14], $0x80  }
0x5f: {  	[sflag:s14] =	ssyncset.done $0x0  }
0x60: {  	s28 =	sadd.s32 $0xA20, s28;
	[sflag:s14] =	ssyncadd.s32 $0xFFFFFF80  }
0x61: {  	[tilespmem:s17], [sflag:$0x3] =	stream.linear.gather [hbm4b:s28+s4], $0x80, $0x38;
	[tilespmem:$0x1C200] =	vst v63  }
0x62: {  	_ =	swait.ge [sflag:s14], $0x80  }
0x63: {  	[sflag:s14] =	ssyncset.done $0x0  }
0x64: {  	[sflag:s14] =	ssyncadd.s32 $0xFFFFFF80  }
0x65: {  	[tilespmem:s19], [sflag:$0x1] =	stream.indirect.gather [spmem:s2], $0x40, s16, s18, $0xb8;
	[tilespmem:$0x1C200] =	vst v63  }
.Ltmp0:
0x66: {  	_ =	swait.ge [sflag:s20], $0x2000;
	(pc) =	sbr.rel @p0 .LBB2_2-.Ltmp0, $4  }
0x67: {  	[sflag:s20] =	ssyncset.done $0x0  }
0x68: {  	[sflag:s20] =	ssyncadd.s32 $0xFFFFE000  }
0x69: {  	_ =	swait.ge [sflag:s24], $0x2000  }
0x6a: {  	s28 =	smov.u32 s26;
	[sflag:s24] =	ssyncset.done $0x0  }
0x6b: {  	s25 =	sadd.s32 $0x1, s25  }
0x6c: {  	[sflag:s24] =	ssyncadd.s32 $0xFFFFE000;
	p0 =	sne.s32 s25, s10  }
.Ltmp1:
0x6d: {  	[bflag:$0x0] =	sbarrier.arrive $0xFFFF;
	(pc) =	sbr.rel @p0 .LBB2_1-.Ltmp1, $4  }
0x6e: {  	[hbm:s9], [sflag:s6] =	dma.local [spmem:s15], $0x2800  }
0x6f: {  	_ =	swait.ge [sflag:s14], $0x2800  }
0x70: {  	[sflag:s14] =	ssyncset.done $0x0  }
0x71: {  	[sflag:s14] =	ssyncadd.s32 $0xFFFFD800  }
0x72: {  	_ =	sfence.sel $0x180000  }
0x73: {  	[bflag:$0x0] =	sbarrier.arrive $0xFFFF  }
0x74: {  	p0 =	sne.s32 s1, $0x0;
	_ =	strace $0x90000050  }
0x75: {  	s0 =	sadd.s32 @!p0 $0x100000, s0;
	[bflag:$0x2] =	sbarrier.arrive $0xFFFF  }
0x76: {  	[sflag:s0] =	ssyncadd.tile.s32 @!p0 $0x1;
	_ =	shalt  }
.Lfunc_end2:
_tile_overlayer_lowered:
.L_overlay_start_2:
0x77: {  	(tag) =	ssettag $0x2  }
0x78: {  	s0 =	rddreg [dreg:$0x0];
	s2 =	stileid.u32  }
0x79: {  	s1 =	rddreg [dreg:$0x1];
	p0 =	sne.s32 s2, $0x0  }
0x7a: {  	s3 =	rddreg [dreg:$0x2];
	[bflag:$0x3] =	sbarrier.arrive $0xFFFF;
	s2 =	simm.s32 @!p0 $0x1C03  }
0x7b: {  	[timem:s3], [sflag:s2] =	dma.local @!p0 [hbm:s0], s1  }
0x7c: {  	s0 =	simm.s32 @!p0 $0x3  }
0x7d: {  	_ =	swait.ge @!p0 [sflag:s0], s1  }
0x7e: {  	s1 =	ssub.s32 @!p0 $0x0, s1;
	[sflag:s0] =	ssyncset.done @!p0 $0x0  }
0x7f: {  	[sflag:s0] =	ssyncadd.s32 @!p0 s1  }
0x80: {  	[bflag:$0x3] =	sbarrier.arrive $0xFFFF  }
0x81: {  	_ =	shalt  }

</sc_bundles>
